<compile_context>
chip_gen: v7x
topology: tpu7x:2x2x1
jax: 0.10.2.dev20260603
libtpu: 0.0.44.dev20260713+nightly
codegen_flags: <defaults>
</compile_context>

<pallas_src>
import functools

import jax
import jax.numpy as jnp
from jax import lax
from jax.experimental import pallas as pl
from jax.experimental.pallas import tpu as pltpu
from jax.experimental.pallas import tpu_sc as plsc

LENGTH = 5
EMBED_DIM = 768
POOL = 10
TOP_K = 2
N_LAYERS = 5
N_HEADS = 12
BATCH = 64
SEQ = 197

BB = 8
ROW = LENGTH * EMBED_DIM
N_ROWS = N_LAYERS * 2 * BATCH * TOP_K

_NC = 2
_NS = 16
_NW = _NC * _NS
_RPW = N_ROWS // _NW


def _routing_body(x_ref, key_ref, sim_ref, idx_ref, bkn_ref,
                  rowid_ref, rsim_ref):
    i = pl.program_id(0)
    mean = jnp.sum(x_ref[...], axis=0) / jnp.float32(SEQ)
    msq = jnp.sum(mean * mean, axis=1, keepdims=True)
    xn = mean * lax.rsqrt(jnp.maximum(msq, jnp.float32(1e-12)))
    key = key_ref[...]
    ksq = jnp.sum(key * key, axis=1, keepdims=True)
    kn = key * lax.rsqrt(jnp.maximum(ksq, jnp.float32(1e-12)))

    sim = lax.dot_general(xn, kn, (((1,), (1,)), ((), ())),
                          preferred_element_type=jnp.float32)
    sim_ref[...] = sim

    cols = lax.broadcasted_iota(jnp.int32, sim.shape, 1)
    m1 = jnp.max(sim, axis=1, keepdims=True)
    a1 = jnp.min(jnp.where(sim == m1, cols, POOL), axis=1, keepdims=True)
    sim2 = jnp.where(cols == a1, -jnp.inf, sim)
    m2 = jnp.max(sim2, axis=1, keepdims=True)
    a2 = jnp.min(jnp.where(sim2 == m2, cols, POOL), axis=1, keepdims=True)
    idx = jnp.concatenate([a1, a2], axis=1)
    idx_ref[...] = idx

    oh1 = (cols == a1).astype(jnp.float32)
    oh2 = (cols == a2).astype(jnp.float32)
    bkn_ref[:, 0, :] = lax.dot_general(oh1, kn, (((1,), (0,)), ((), ())),
                                       preferred_element_type=jnp.float32)
    bkn_ref[:, 1, :] = lax.dot_general(oh2, kn, (((1,), (0,)), ((), ())),
                                       preferred_element_type=jnp.float32)

    lidx = lax.broadcasted_iota(jnp.int32, (N_LAYERS, 2, BB, TOP_K), 0)
    didx = lax.broadcasted_iota(jnp.int32, (N_LAYERS, 2, BB, TOP_K), 1)
    rowid_ref[...] = (lidx * 2 + didx) * POOL + idx[None, None, :, :]

    part = (jnp.sum(m1) + jnp.sum(m2)) * jnp.float32(1.0 / BATCH)

    @pl.when(i == 0)
    def _():
        rsim_ref[...] = jnp.zeros_like(rsim_ref)

    rsim_ref[...] += part


_routing_call = pl.pallas_call(
    _routing_body,
    grid=(BATCH // BB,),
    in_specs=[
        pl.BlockSpec((SEQ, BB, EMBED_DIM), lambda i: (0, i, 0)),
        pl.BlockSpec((POOL, EMBED_DIM), lambda i: (0, 0)),
    ],
    out_specs=[
        pl.BlockSpec((BB, POOL), lambda i: (i, 0)),
        pl.BlockSpec((BB, TOP_K), lambda i: (i, 0)),
        pl.BlockSpec((BB, TOP_K, EMBED_DIM), lambda i: (i, 0, 0)),
        pl.BlockSpec((N_LAYERS, 2, BB, TOP_K), lambda i: (0, 0, i, 0)),
        pl.BlockSpec((1, 128), lambda i: (0, 0)),
    ],
    out_shape=[
        jax.ShapeDtypeStruct((BATCH, POOL), jnp.float32),
        jax.ShapeDtypeStruct((BATCH, TOP_K), jnp.int32),
        jax.ShapeDtypeStruct((BATCH, TOP_K, EMBED_DIM), jnp.float32),
        jax.ShapeDtypeStruct((N_LAYERS, 2, BATCH, TOP_K), jnp.int32),
        jax.ShapeDtypeStruct((1, 128), jnp.float32),
    ],
)


@functools.cache
def _sc_gather_fn():
    mesh = plsc.VectorSubcoreMesh(core_axis_name="c", subcore_axis_name="s")

    @functools.partial(
        pl.kernel,
        mesh=mesh,
        out_type=jax.ShapeDtypeStruct((N_ROWS, ROW), jnp.float32),
        scratch_types=[
            pltpu.VMEM((_RPW,), jnp.int32),
            pltpu.VMEM((16, ROW), jnp.float32),
            pltpu.VMEM((16, ROW), jnp.float32),
            pltpu.SemaphoreType.DMA,
            pltpu.SemaphoreType.DMA,
            pltpu.SemaphoreType.DMA,
            pltpu.SemaphoreType.DMA,
        ],
    )
    def _sc_gather(table_hbm, rowid_hbm, out_hbm, idx_v, rows_a, rows_b,
                   gs0, gs1, ws0, ws1):
        wid = lax.axis_index("s") * _NC + lax.axis_index("c")
        base = wid * _RPW
        pltpu.sync_copy(rowid_hbm.at[pl.ds(base, _RPW)], idx_v)
        a8 = rows_a.at[pl.ds(0, 8)]

        def gstart(off, n, buf, sem):
            return pltpu.async_copy(
                table_hbm.at[idx_v.at[pl.ds(off, n)]], buf, sem)

        g0 = gstart(0, 16, rows_a, gs0)
        g1 = gstart(16, 16, rows_b, gs1)
        g0.wait()
        w0 = pltpu.async_copy(rows_a, out_hbm.at[pl.ds(base, 16)], ws0)
        g1.wait()
        w1 = pltpu.async_copy(rows_b, out_hbm.at[pl.ds(base + 16, 16)], ws1)
        w0.wait()
        g2 = gstart(32, 8, a8, gs0)
        g2.wait()
        w2 = pltpu.async_copy(a8, out_hbm.at[pl.ds(base + 32, 8)], ws0)
        w1.wait()
        w2.wait()

    return _sc_gather


def kernel(x_embed, prompt, prompt_key):
    x_t = jnp.transpose(x_embed, (1, 0, 2))
    table = prompt.reshape(N_LAYERS * 2 * POOL, ROW)
    sim, idx, bkn, rowid, rsim = _routing_call(x_t, prompt_key)
    flat = _sc_gather_fn()(table, rowid.reshape(N_ROWS))
    bp = flat.reshape(N_LAYERS, 2, BATCH, TOP_K, LENGTH, N_HEADS,
                      EMBED_DIM // N_HEADS)
    bp = bp.reshape(N_LAYERS, BATCH, 2, TOP_K * LENGTH, N_HEADS,
                    EMBED_DIM // N_HEADS)
    return (bp, sim, idx, bkn, rsim[0, 0])

# --- scband reference (transcript-rebuilt; emitter-appended) ---
"""Pipeline reference for scband-eprompt-9414568313040 (READ-ONLY COPY).

The authoritative reference and input builder live on the scoring server;
editing this copy changes nothing except your own understanding.
"""

import jax, jax.numpy as jnp
import numpy as np

LENGTH = 5
EMBED_DIM = 768
POOL_SIZE = 10
TOP_K = 2
NUM_LAYERS = 5
NUM_HEADS = 12
B = 64
S = 197


def l2_normalize(x, axis=-1, eps=1e-12):
    sq = jnp.sum(x * x, axis=axis, keepdims=True)
    return x * jax.lax.rsqrt(jnp.maximum(sq, jnp.float32(eps)))


def setup_inputs(seed: int = 0) -> dict:
    key = jax.random.key(seed)
    k1, k2, k3 = jax.random.split(key, 3)
    x_embed = jax.random.normal(k1, (B, S, EMBED_DIM), dtype=jnp.float32)
    prompt = jax.random.uniform(k2, (NUM_LAYERS, 2, POOL_SIZE, LENGTH, NUM_HEADS, EMBED_DIM // NUM_HEADS), minval=-1.0, maxval=1.0, dtype=jnp.float32)
    prompt_key = jax.random.uniform(k3, (POOL_SIZE, EMBED_DIM), minval=-1.0, maxval=1.0, dtype=jnp.float32)
    return {"x_embed": x_embed, "prompt": prompt, "prompt_key": prompt_key}


def reference(x_embed, prompt, prompt_key):
    # embedding_key == 'mean'
    x_embed_mean = jnp.mean(x_embed, axis=1)
    prompt_key_norm = l2_normalize(prompt_key, axis=-1)
    x_embed_norm = l2_normalize(x_embed_mean, axis=-1)
    similarity = jnp.matmul(prompt_key_norm, x_embed_norm.T)  # [pool, B]
    similarity = similarity.T  # [B, pool]
    similarity_top_k, idx = jax.lax.top_k(similarity, TOP_K)  # idx: [B, top_k]
    # use_prefix_tune_for_e_prompt=True path: gather then raw reshape (faithful to torch semantics)
    batched_prompt_raw = prompt[:, :, idx]  # [L, 2, B, K, length, H, hd]
    num_layers, dual, batch_size, top_k, length, num_heads, heads_embed_dim = batched_prompt_raw.shape
    batched_prompt = batched_prompt_raw.reshape(num_layers, batch_size, dual, top_k * length, num_heads, heads_embed_dim)
    batched_key_norm = prompt_key_norm[idx]  # [B, K, D]
    x_embed_norm_u = x_embed_norm[:, None, :]
    sim = batched_key_norm * x_embed_norm_u
    reduce_sim = jnp.sum(sim) / x_embed.shape[0]
    return (batched_prompt, similarity, idx, batched_key_norm, reduce_sim)

if __name__ == "__main__":
    import jax
    _d = setup_inputs()
    print(jax.jit(kernel)(*tuple(_d.values())))

</pallas_src>

<mosaic_0001>
#map = affine_map<(d0, d1) -> (0, 0)>
#map1 = affine_map<(d0, d1) -> (0)>
module attributes {stable_mosaic.version = 14 : i64} {
  func.func @_sc_gather(%arg0: i32, %arg1: i32, %arg2: memref<100x3840xf32, #tpu.memory_space<hbm>>, %arg3: memref<1280xi32, #tpu.memory_space<hbm>>, %arg4: memref<1280x3840xf32, #tpu.memory_space<hbm>>, %arg5: memref<40xi32, #tpu.memory_space<vmem>>, %arg6: memref<16x3840xf32, #tpu.memory_space<vmem>>, %arg7: memref<16x3840xf32, #tpu.memory_space<vmem>>, %arg8: memref<!tpu.dma_semaphore, #tpu.memory_space<semaphore_mem>>, %arg9: memref<!tpu.dma_semaphore, #tpu.memory_space<semaphore_mem>>, %arg10: memref<!tpu.dma_semaphore, #tpu.memory_space<semaphore_mem>>, %arg11: memref<!tpu.dma_semaphore, #tpu.memory_space<semaphore_mem>>) attributes {dimension_semantics = [#tpu.dimension_semantics<core_parallel>, #tpu.dimension_semantics<subcore_parallel>], iteration_bounds = array<i64: 2, 16>, scalar_prefetch = 0 : i64, scratch_operands = 7 : i64, tpu.core_type = #tpu.core_type<sc_vector_subcore>, window_params = [{transform_indices = #map}, {transform_indices = #map1}, {transform_indices = #map}]} {
    %mul3A = arith.constant 2 : i32
    %mul3A_0 = arith.muli %arg1, %mul3A : i32
    %add3A = arith.addi %mul3A_0, %arg0 : i32
    %mul3A_1 = arith.constant 40 : i32
    %mul3A_2 = arith.muli %add3A, %mul3A_1 : i32
    "tpu.region"() ({
      %run_scoped3A = tpu.sem_alloc : memref<!tpu.dma_semaphore, #tpu.memory_space<semaphore_mem>>
      %dma_start3A_77 = tpu.memref_slice %arg3[%mul3A_2] : memref<1280xi32, #tpu.memory_space<hbm>> -> memref<40xi32, #tpu.memory_space<hbm>>
      %dma_start3A_78 = tpu.memref_slice %arg3[%mul3A_2] : memref<1280xi32, #tpu.memory_space<hbm>> -> memref<40xi32, #tpu.memory_space<hbm>>
      tpu.enqueue_dma source(%dma_start3A_78 : memref<40xi32, #tpu.memory_space<hbm>>) target(%arg5 : memref<40xi32, #tpu.memory_space<vmem>>) target_semaphore(%run_scoped3A : memref<!tpu.dma_semaphore, #tpu.memory_space<semaphore_mem>>)
      %dma_wait3A_79 = tpu.memref_slice %arg3[%mul3A_2] : memref<1280xi32, #tpu.memory_space<hbm>> -> memref<40xi32, #tpu.memory_space<hbm>>
      %dma_wait3A_80 = tpu.memref_slice %arg3[%mul3A_2] : memref<1280xi32, #tpu.memory_space<hbm>> -> memref<40xi32, #tpu.memory_space<hbm>>
      tpu.wait_dma2 semaphore(%run_scoped3A : memref<!tpu.dma_semaphore, #tpu.memory_space<semaphore_mem>>) src(%dma_wait3A_80 : memref<40xi32, #tpu.memory_space<hbm>>) dst(%arg5 : memref<40xi32, #tpu.memory_space<vmem>>)
      tpu.yield
    }) : () -> ()
    %dma_start3A = arith.constant 0 : i32
    %dma_start3A_3 = tpu.memref_slice %arg5[%dma_start3A] : memref<40xi32, #tpu.memory_space<vmem>> -> memref<16xi32, #tpu.memory_space<vmem>>
    %dma_start3A_4 = arith.constant 0 : i32
    %dma_start3A_5 = arith.constant 0 : i32
    %dma_start3A_6 = tpu.memref_slice %arg2[%dma_start3A_4, %dma_start3A_5] : memref<100x3840xf32, #tpu.memory_space<hbm>> -> memref<100x3840xf32, #tpu.memory_space<hbm>>
    tpu.enqueue_indirect_dma source(%dma_start3A_6 : memref<100x3840xf32, #tpu.memory_space<hbm>>) target(%arg6 : memref<16x3840xf32, #tpu.memory_space<vmem>>) offsets(%dma_start3A_3 : memref<16xi32, #tpu.memory_space<vmem>>) semaphore(%arg8 : memref<!tpu.dma_semaphore, #tpu.memory_space<semaphore_mem>>)
    %dma_start3A_7 = arith.constant 16 : i32
    %dma_start3A_8 = tpu.memref_slice %arg5[%dma_start3A_7] : memref<40xi32, #tpu.memory_space<vmem>> -> memref<16xi32, #tpu.memory_space<vmem>>
    %dma_start3A_9 = arith.constant 0 : i32
    %dma_start3A_10 = arith.constant 0 : i32
    %dma_start3A_11 = tpu.memref_slice %arg2[%dma_start3A_9, %dma_start3A_10] : memref<100x3840xf32, #tpu.memory_space<hbm>> -> memref<100x3840xf32, #tpu.memory_space<hbm>>
    tpu.enqueue_indirect_dma source(%dma_start3A_11 : memref<100x3840xf32, #tpu.memory_space<hbm>>) target(%arg7 : memref<16x3840xf32, #tpu.memory_space<vmem>>) offsets(%dma_start3A_8 : memref<16xi32, #tpu.memory_space<vmem>>) semaphore(%arg9 : memref<!tpu.dma_semaphore, #tpu.memory_space<semaphore_mem>>)
    %dma_wait3A = arith.constant 0 : i32
    %dma_wait3A_12 = tpu.memref_slice %arg5[%dma_wait3A] : memref<40xi32, #tpu.memory_space<vmem>> -> memref<16xi32, #tpu.memory_space<vmem>>
    %dma_wait3A_13 = arith.constant 0 : i32
    %dma_wait3A_14 = arith.constant 0 : i32
    %dma_wait3A_15 = tpu.memref_slice %arg2[%dma_wait3A_13, %dma_wait3A_14] : memref<100x3840xf32, #tpu.memory_space<hbm>> -> memref<100x3840xf32, #tpu.memory_space<hbm>>
    tpu.wait_indirect_dma semaphore(%arg8 : memref<!tpu.dma_semaphore, #tpu.memory_space<semaphore_mem>>) src(%dma_wait3A_15 : memref<100x3840xf32, #tpu.memory_space<hbm>>) dst(%arg6 : memref<16x3840xf32, #tpu.memory_space<vmem>>)
    %dma_start3A_16 = arith.constant 0 : i32
    %dma_start3A_17 = tpu.memref_slice %arg4[%mul3A_2, %dma_start3A_16] : memref<1280x3840xf32, #tpu.memory_space<hbm>> -> memref<16x3840xf32, #tpu.memory_space<hbm>>
    %dma_start3A_18 = arith.constant 0 : i32
    %dma_start3A_19 = tpu.memref_slice %arg4[%mul3A_2, %dma_start3A_18] : memref<1280x3840xf32, #tpu.memory_space<hbm>> -> memref<16x3840xf32, #tpu.memory_space<hbm>>
    tpu.enqueue_dma source(%arg6 : memref<16x3840xf32, #tpu.memory_space<vmem>>) target(%dma_start3A_19 : memref<16x3840xf32, #tpu.memory_space<hbm>>) target_semaphore(%arg10 : memref<!tpu.dma_semaphore, #tpu.memory_space<semaphore_mem>>)
    %dma_wait3A_20 = arith.constant 16 : i32
    %dma_wait3A_21 = tpu.memref_slice %arg5[%dma_wait3A_20] : memref<40xi32, #tpu.memory_space<vmem>> -> memref<16xi32, #tpu.memory_space<vmem>>
    %dma_wait3A_22 = arith.constant 0 : i32
    %dma_wait3A_23 = arith.constant 0 : i32
    %dma_wait3A_24 = tpu.memref_slice %arg2[%dma_wait3A_22, %dma_wait3A_23] : memref<100x3840xf32, #tpu.memory_space<hbm>> -> memref<100x3840xf32, #tpu.memory_space<hbm>>
    tpu.wait_indirect_dma semaphore(%arg9 : memref<!tpu.dma_semaphore, #tpu.memory_space<semaphore_mem>>) src(%dma_wait3A_24 : memref<100x3840xf32, #tpu.memory_space<hbm>>) dst(%arg7 : memref<16x3840xf32, #tpu.memory_space<vmem>>)
    %add3A_25 = arith.constant 16 : i32
    %add3A_26 = arith.addi %mul3A_2, %add3A_25 : i32
    %dma_start3A_27 = arith.constant 0 : i32
    %dma_start3A_28 = tpu.memref_slice %arg4[%add3A_26, %dma_start3A_27] : memref<1280x3840xf32, #tpu.memory_space<hbm>> -> memref<16x3840xf32, #tpu.memory_space<hbm>>
    %dma_start3A_29 = arith.constant 0 : i32
    %dma_start3A_30 = tpu.memref_slice %arg4[%add3A_26, %dma_start3A_29] : memref<1280x3840xf32, #tpu.memory_space<hbm>> -> memref<16x3840xf32, #tpu.memory_space<hbm>>
    tpu.enqueue_dma source(%arg7 : memref<16x3840xf32, #tpu.memory_space<vmem>>) target(%dma_start3A_30 : memref<16x3840xf32, #tpu.memory_space<hbm>>) target_semaphore(%arg11 : memref<!tpu.dma_semaphore, #tpu.memory_space<semaphore_mem>>)
    %dma_wait3A_31 = arith.constant 0 : i32
    %dma_wait3A_32 = tpu.memref_slice %arg4[%mul3A_2, %dma_wait3A_31] : memref<1280x3840xf32, #tpu.memory_space<hbm>> -> memref<16x3840xf32, #tpu.memory_space<hbm>>
    %dma_wait3A_33 = arith.constant 0 : i32
    %dma_wait3A_34 = tpu.memref_slice %arg4[%mul3A_2, %dma_wait3A_33] : memref<1280x3840xf32, #tpu.memory_space<hbm>> -> memref<16x3840xf32, #tpu.memory_space<hbm>>
    tpu.wait_dma2 semaphore(%arg10 : memref<!tpu.dma_semaphore, #tpu.memory_space<semaphore_mem>>) src(%arg6 : memref<16x3840xf32, #tpu.memory_space<vmem>>) dst(%dma_wait3A_34 : memref<16x3840xf32, #tpu.memory_space<hbm>>)
    %dma_start3A_35 = arith.constant 0 : i32
    %dma_start3A_36 = arith.constant 0 : i32
    %dma_start3A_37 = tpu.memref_slice %arg6[%dma_start3A_35, %dma_start3A_36] : memref<16x3840xf32, #tpu.memory_space<vmem>> -> memref<8x3840xf32, #tpu.memory_space<vmem>>
    %dma_start3A_38 = arith.constant 32 : i32
    %dma_start3A_39 = tpu.memref_slice %arg5[%dma_start3A_38] : memref<40xi32, #tpu.memory_space<vmem>> -> memref<8xi32, #tpu.memory_space<vmem>>
    %dma_start3A_40 = arith.constant 0 : i32
    %dma_start3A_41 = arith.constant 0 : i32
    %dma_start3A_42 = tpu.memref_slice %arg2[%dma_start3A_40, %dma_start3A_41] : memref<100x3840xf32, #tpu.memory_space<hbm>> -> memref<100x3840xf32, #tpu.memory_space<hbm>>
    tpu.enqueue_indirect_dma source(%dma_start3A_42 : memref<100x3840xf32, #tpu.memory_space<hbm>>) target(%dma_start3A_37 : memref<8x3840xf32, #tpu.memory_space<vmem>>) offsets(%dma_start3A_39 : memref<8xi32, #tpu.memory_space<vmem>>) semaphore(%arg8 : memref<!tpu.dma_semaphore, #tpu.memory_space<semaphore_mem>>)
    %dma_wait3A_43 = arith.constant 0 : i32
    %dma_wait3A_44 = arith.constant 0 : i32
    %dma_wait3A_45 = tpu.memref_slice %arg6[%dma_wait3A_43, %dma_wait3A_44] : memref<16x3840xf32, #tpu.memory_space<vmem>> -> memref<8x3840xf32, #tpu.memory_space<vmem>>
    %dma_wait3A_46 = arith.constant 32 : i32
    %dma_wait3A_47 = tpu.memref_slice %arg5[%dma_wait3A_46] : memref<40xi32, #tpu.memory_space<vmem>> -> memref<8xi32, #tpu.memory_space<vmem>>
    %dma_wait3A_48 = arith.constant 0 : i32
    %dma_wait3A_49 = arith.constant 0 : i32
    %dma_wait3A_50 = tpu.memref_slice %arg2[%dma_wait3A_48, %dma_wait3A_49] : memref<100x3840xf32, #tpu.memory_space<hbm>> -> memref<100x3840xf32, #tpu.memory_space<hbm>>
    tpu.wait_indirect_dma semaphore(%arg8 : memref<!tpu.dma_semaphore, #tpu.memory_space<semaphore_mem>>) src(%dma_wait3A_50 : memref<100x3840xf32, #tpu.memory_space<hbm>>) dst(%dma_wait3A_45 : memref<8x3840xf32, #tpu.memory_space<vmem>>)
    %add3A_51 = arith.constant 32 : i32
    %add3A_52 = arith.addi %mul3A_2, %add3A_51 : i32
    %dma_start3A_53 = arith.constant 0 : i32
    %dma_start3A_54 = arith.constant 0 : i32
    %dma_start3A_55 = tpu.memref_slice %arg6[%dma_start3A_53, %dma_start3A_54] : memref<16x3840xf32, #tpu.memory_space<vmem>> -> memref<8x3840xf32, #tpu.memory_space<vmem>>
    %dma_start3A_56 = arith.constant 0 : i32
    %dma_start3A_57 = tpu.memref_slice %arg4[%add3A_52, %dma_start3A_56] : memref<1280x3840xf32, #tpu.memory_space<hbm>> -> memref<8x3840xf32, #tpu.memory_space<hbm>>
    %dma_start3A_58 = arith.constant 0 : i32
    %dma_start3A_59 = tpu.memref_slice %arg4[%add3A_52, %dma_start3A_58] : memref<1280x3840xf32, #tpu.memory_space<hbm>> -> memref<8x3840xf32, #tpu.memory_space<hbm>>
    %dma_start3A_60 = arith.constant 0 : i32
    %dma_start3A_61 = arith.constant 0 : i32
    %dma_start3A_62 = tpu.memref_slice %arg6[%dma_start3A_60, %dma_start3A_61] : memref<16x3840xf32, #tpu.memory_space<vmem>> -> memref<8x3840xf32, #tpu.memory_space<vmem>>
    tpu.enqueue_dma source(%dma_start3A_62 : memref<8x3840xf32, #tpu.memory_space<vmem>>) target(%dma_start3A_59 : memref<8x3840xf32, #tpu.memory_space<hbm>>) target_semaphore(%arg10 : memref<!tpu.dma_semaphore, #tpu.memory_space<semaphore_mem>>)
    %dma_wait3A_63 = arith.constant 0 : i32
    %dma_wait3A_64 = tpu.memref_slice %arg4[%add3A_26, %dma_wait3A_63] : memref<1280x3840xf32, #tpu.memory_space<hbm>> -> memref<16x3840xf32, #tpu.memory_space<hbm>>
    %dma_wait3A_65 = arith.constant 0 : i32
    %dma_wait3A_66 = tpu.memref_slice %arg4[%add3A_26, %dma_wait3A_65] : memref<1280x3840xf32, #tpu.memory_space<hbm>> -> memref<16x3840xf32, #tpu.memory_space<hbm>>
    tpu.wait_dma2 semaphore(%arg11 : memref<!tpu.dma_semaphore, #tpu.memory_space<semaphore_mem>>) src(%arg7 : memref<16x3840xf32, #tpu.memory_space<vmem>>) dst(%dma_wait3A_66 : memref<16x3840xf32, #tpu.memory_space<hbm>>)
    %dma_wait3A_67 = arith.constant 0 : i32
    %dma_wait3A_68 = arith.constant 0 : i32
    %dma_wait3A_69 = tpu.memref_slice %arg6[%dma_wait3A_67, %dma_wait3A_68] : memref<16x3840xf32, #tpu.memory_space<vmem>> -> memref<8x3840xf32, #tpu.memory_space<vmem>>
    %dma_wait3A_70 = arith.constant 0 : i32
    %dma_wait3A_71 = tpu.memref_slice %arg4[%add3A_52, %dma_wait3A_70] : memref<1280x3840xf32, #tpu.memory_space<hbm>> -> memref<8x3840xf32, #tpu.memory_space<hbm>>
    %dma_wait3A_72 = arith.constant 0 : i32
    %dma_wait3A_73 = tpu.memref_slice %arg4[%add3A_52, %dma_wait3A_72] : memref<1280x3840xf32, #tpu.memory_space<hbm>> -> memref<8x3840xf32, #tpu.memory_space<hbm>>
    %dma_wait3A_74 = arith.constant 0 : i32
    %dma_wait3A_75 = arith.constant 0 : i32
    %dma_wait3A_76 = tpu.memref_slice %arg6[%dma_wait3A_74, %dma_wait3A_75] : memref<16x3840xf32, #tpu.memory_space<vmem>> -> memref<8x3840xf32, #tpu.memory_space<vmem>>
    tpu.wait_dma2 semaphore(%arg10 : memref<!tpu.dma_semaphore, #tpu.memory_space<semaphore_mem>>) src(%dma_wait3A_76 : memref<8x3840xf32, #tpu.memory_space<vmem>>) dst(%dma_wait3A_73 : memref<8x3840xf32, #tpu.memory_space<hbm>>)
    return
  }
}

module attributes {stable_mosaic.version = 14 : i64} {
  func.func @_routing_body(%arg0: i32, %arg1: memref<197x8x768xf32, #tpu.memory_space<vmem>>, %arg2: memref<10x768xf32, #tpu.memory_space<vmem>>, %arg3: memref<8x10xf32, #tpu.memory_space<vmem>>, %arg4: memref<8x2xi32, #tpu.memory_space<vmem>>, %arg5: memref<8x2x768xf32, #tpu.memory_space<vmem>>, %arg6: memref<5x2x8x2xi32, #tpu.memory_space<vmem>>, %arg7: memref<1x128xf32, #tpu.memory_space<vmem>>) attributes {dimension_semantics = [#tpu.dimension_semantics<arbitrary>], iteration_bounds = array<i64: 8>, scalar_prefetch = 0 : i64, scratch_operands = 0 : i64, tpu.core_type = #tpu.core_type<tc>, window_params = [{transform_indices = @transform_0, window_bounds = array<i64: 197, 8, 768>}, {pipeline_mode = #tpu.pipeline_mode<synchronous>, transform_indices = @transform_1, window_bounds = array<i64: 10, 768>}, {transform_indices = @transform_2, window_bounds = array<i64: 8, 10>}, {transform_indices = @transform_3, window_bounds = array<i64: 8, 2>}, {transform_indices = @transform_4, window_bounds = array<i64: 8, 2, 768>}, {transform_indices = @transform_5, window_bounds = array<i64: 5, 2, 8, 2>}, {pipeline_mode = #tpu.pipeline_mode<synchronous>, transform_indices = @transform_6, window_bounds = array<i64: 1, 128>}]} {
    %get3A = arith.constant 0 : index
    %get3A_0 = arith.constant 0 : index
    %get3A_1 = arith.constant 0 : index
    %get3A_2 = vector.load %arg1[%get3A, %get3A_0, %get3A_1] : memref<197x8x768xf32, #tpu.memory_space<vmem>>, vector<197x8x768xf32>
    %reduce_sum3A = arith.constant dense<0.000000e+00> : vector<8x768xf32>
    %reduce_sum3A_3 = vector.multi_reduction <add>, %get3A_2, %reduce_sum3A [0] : vector<197x8x768xf32> to vector<8x768xf32>
    %div3A = arith.constant 1.970000e+02 : f32
    %div3A_4 = vector.broadcast %div3A : f32 to vector<8x768xf32>
    %div3A_5 = arith.divf %reduce_sum3A_3, %div3A_4 : vector<8x768xf32>
    %mul3A = arith.mulf %div3A_5, %div3A_5 : vector<8x768xf32>
    %reduce_sum3A_6 = arith.constant dense<0.000000e+00> : vector<8xf32>
    %reduce_sum3A_7 = vector.multi_reduction <add>, %mul3A, %reduce_sum3A_6 [1] : vector<8x768xf32> to vector<8xf32>
    %broadcast_in_dim3A = vector.shape_cast %reduce_sum3A_7 : vector<8xf32> to vector<8x1xf32>
    %max3A = arith.constant 9.99999996E-13 : f32
    %max3A_8 = vector.broadcast %max3A : f32 to vector<8x1xf32>
    %max3A_9 = arith.maximumf %broadcast_in_dim3A, %max3A_8 : vector<8x1xf32>
    %rsqrt3A = math.rsqrt %max3A_9 : vector<8x1xf32>
    %mul3A_10 = vector.broadcast %rsqrt3A : vector<8x1xf32> to vector<8x768xf32>
    %mul3A_11 = arith.mulf %div3A_5, %mul3A_10 : vector<8x768xf32>
    %get3A_12 = arith.constant 0 : index
    %get3A_13 = arith.constant 0 : index
    %get3A_14 = vector.load %arg2[%get3A_12, %get3A_13] : memref<10x768xf32, #tpu.memory_space<vmem>>, vector<10x768xf32>
    %mul3A_15 = arith.mulf %get3A_14, %get3A_14 : vector<10x768xf32>
    %reduce_sum3A_16 = arith.constant dense<0.000000e+00> : vector<10xf32>
    %reduce_sum3A_17 = vector.multi_reduction <add>, %mul3A_15, %reduce_sum3A_16 [1] : vector<10x768xf32> to vector<10xf32>
    %broadcast_in_dim3A_18 = vector.shape_cast %reduce_sum3A_17 : vector<10xf32> to vector<10x1xf32>
    %max3A_19 = arith.constant 9.99999996E-13 : f32
    %max3A_20 = vector.broadcast %max3A_19 : f32 to vector<10x1xf32>
    %max3A_21 = arith.maximumf %broadcast_in_dim3A_18, %max3A_20 : vector<10x1xf32>
    %rsqrt3A_22 = math.rsqrt %max3A_21 : vector<10x1xf32>
    %mul3A_23 = vector.broadcast %rsqrt3A_22 : vector<10x1xf32> to vector<10x768xf32>
    %mul3A_24 = arith.mulf %get3A_14, %mul3A_23 : vector<10x768xf32>
    %dot_general3A = arith.constant dense<0.000000e+00> : vector<8x10xf32>
    %dot_general3A_25 = tpu.matmul %mul3A_11, %mul3A_24, %dot_general3A {dimension_numbers = #tpu.dot_dimension_numbers<[1], [1], [0], [0], [0, 0, 1, 0], [], []>, transpose_lhs_hint = false} : vector<8x768xf32>, vector<10x768xf32>, vector<8x10xf32> -> vector<8x10xf32>
    %swap3A = arith.constant 0 : index
    %swap3A_26 = arith.constant 0 : index
    %swap3A_27 = vector.load %arg3[%swap3A, %swap3A_26] : memref<8x10xf32, #tpu.memory_space<vmem>>, vector<8x10xf32>
    tpu.vector_store %arg3[%swap3A, %swap3A_26], %dot_general3A_25 {strides = array<i32>} : memref<8x10xf32, #tpu.memory_space<vmem>>, vector<8x10xf32>,
    %iota3A = tpu.iota {dimensions = array<i32: 1>} : vector<8x10xi32>
    %reduce_max3A = arith.constant dense<0xFF800000> : vector<8xf32>
    %reduce_max3A_28 = vector.multi_reduction <maximumf>, %dot_general3A_25, %reduce_max3A [1] : vector<8x10xf32> to vector<8xf32>
    %broadcast_in_dim3A_29 = vector.shape_cast %reduce_max3A_28 : vector<8xf32> to vector<8x1xf32>
    %eq3A = vector.broadcast %broadcast_in_dim3A_29 : vector<8x1xf32> to vector<8x10xf32>
    %eq3A_30 = arith.cmpf oeq, %dot_general3A_25, %eq3A : vector<8x10xf32>
    %jit3A = arith.constant 10 : i32
    %broadcast_in_dim3A_31 = vector.broadcast %jit3A : i32 to vector<8x10xi32>
    %select_n3A = arith.select %eq3A_30, %iota3A, %broadcast_in_dim3A_31 : vector<8x10xi1>, vector<8x10xi32>
    %reduce_min3A = arith.constant dense<2147483647> : vector<8xi32>
    %reduce_min3A_32 = vector.multi_reduction <minsi>, %select_n3A, %reduce_min3A [1] : vector<8x10xi32> to vector<8xi32>
    %broadcast_in_dim3A_33 = vector.shape_cast %reduce_min3A_32 : vector<8xi32> to vector<8x1xi32>
    %eq3A_34 = vector.broadcast %broadcast_in_dim3A_33 : vector<8x1xi32> to vector<8x10xi32>
    %eq3A_35 = arith.cmpi eq, %iota3A, %eq3A_34 : vector<8x10xi32>
    %jit3A_36 = arith.constant 0xFF800000 : f32
    %broadcast_in_dim3A_37 = vector.broadcast %jit3A_36 : f32 to vector<8x10xf32>
    %select_n3A_38 = arith.select %eq3A_35, %broadcast_in_dim3A_37, %dot_general3A_25 : vector<8x10xi1>, vector<8x10xf32>
    %reduce_max3A_39 = arith.constant dense<0xFF800000> : vector<8xf32>
    %reduce_max3A_40 = vector.multi_reduction <maximumf>, %select_n3A_38, %reduce_max3A_39 [1] : vector<8x10xf32> to vector<8xf32>
    %broadcast_in_dim3A_41 = vector.shape_cast %reduce_max3A_40 : vector<8xf32> to vector<8x1xf32>
    %eq3A_42 = vector.broadcast %broadcast_in_dim3A_41 : vector<8x1xf32> to vector<8x10xf32>
    %eq3A_43 = arith.cmpf oeq, %select_n3A_38, %eq3A_42 : vector<8x10xf32>
    %jit3A_44 = arith.constant 10 : i32
    %broadcast_in_dim3A_45 = vector.broadcast %jit3A_44 : i32 to vector<8x10xi32>
    %select_n3A_46 = arith.select %eq3A_43, %iota3A, %broadcast_in_dim3A_45 : vector<8x10xi1>, vector<8x10xi32>
    %reduce_min3A_47 = arith.constant dense<2147483647> : vector<8xi32>
    %reduce_min3A_48 = vector.multi_reduction <minsi>, %select_n3A_46, %reduce_min3A_47 [1] : vector<8x10xi32> to vector<8xi32>
    %broadcast_in_dim3A_49 = vector.shape_cast %reduce_min3A_48 : vector<8xi32> to vector<8x1xi32>
    %concatenate3A = tpu.concatenate %broadcast_in_dim3A_33, %broadcast_in_dim3A_49 in 1 : vector<8x1xi32>, vector<8x1xi32> -> vector<8x2xi32>
    %swap3A_50 = arith.constant 0 : index
    %swap3A_51 = arith.constant 0 : index
    %swap3A_52 = vector.load %arg4[%swap3A_50, %swap3A_51] : memref<8x2xi32, #tpu.memory_space<vmem>>, vector<8x2xi32>
    tpu.vector_store %arg4[%swap3A_50, %swap3A_51], %concatenate3A {strides = array<i32>} : memref<8x2xi32, #tpu.memory_space<vmem>>, vector<8x2xi32>,
    %eq3A_53 = vector.broadcast %broadcast_in_dim3A_33 : vector<8x1xi32> to vector<8x10xi32>
    %eq3A_54 = arith.cmpi eq, %iota3A, %eq3A_53 : vector<8x10xi32>
    %convert_element_type3A = arith.extui %eq3A_54 : vector<8x10xi1> to vector<8x10xi32>
    %convert_element_type3A_55 = arith.sitofp %convert_element_type3A : vector<8x10xi32> to vector<8x10xf32>
    %eq3A_56 = vector.broadcast %broadcast_in_dim3A_49 : vector<8x1xi32> to vector<8x10xi32>
    %eq3A_57 = arith.cmpi eq, %iota3A, %eq3A_56 : vector<8x10xi32>
    %convert_element_type3A_58 = arith.extui %eq3A_57 : vector<8x10xi1> to vector<8x10xi32>
    %convert_element_type3A_59 = arith.sitofp %convert_element_type3A_58 : vector<8x10xi32> to vector<8x10xf32>
    %dot_general3A_60 = arith.constant dense<0.000000e+00> : vector<8x768xf32>
    %dot_general3A_61 = tpu.matmul %convert_element_type3A_55, %mul3A_24, %dot_general3A_60 {dimension_numbers = #tpu.dot_dimension_numbers<[1], [0], [0], [1], [0, 0, 1, 1], [], []>, transpose_lhs_hint = false} : vector<8x10xf32>, vector<10x768xf32>, vector<8x768xf32> -> vector<8x768xf32>
    %swap3A_62 = arith.constant 0 : index
    %swap3A_63 = arith.constant 0 : index
    %swap3A_64 = arith.constant 0 : index
    %swap3A_65 = vector.load %arg5[%swap3A_62, %swap3A_63, %swap3A_64] : memref<8x2x768xf32, #tpu.memory_space<vmem>>, vector<8x1x768xf32>
    %swap3A_66 = vector.shape_cast %swap3A_65 : vector<8x1x768xf32> to vector<8x768xf32>
    %swap3A_67 = vector.shape_cast %dot_general3A_61 : vector<8x768xf32> to vector<8x1x768xf32>
    tpu.vector_store %arg5[%swap3A_62, %swap3A_63, %swap3A_64], %swap3A_67 {strides = array<i32>} : memref<8x2x768xf32, #tpu.memory_space<vmem>>, vector<8x1x768xf32>,
    %dot_general3A_68 = arith.constant dense<0.000000e+00> : vector<8x768xf32>
    %dot_general3A_69 = tpu.matmul %convert_element_type3A_59, %mul3A_24, %dot_general3A_68 {dimension_numbers = #tpu.dot_dimension_numbers<[1], [0], [0], [1], [0, 0, 1, 1], [], []>, transpose_lhs_hint = false} : vector<8x10xf32>, vector<10x768xf32>, vector<8x768xf32> -> vector<8x768xf32>
    %swap3A_70 = arith.constant 0 : index
    %swap3A_71 = arith.constant 1 : index
    %swap3A_72 = arith.constant 0 : index
    %swap3A_73 = vector.load %arg5[%swap3A_70, %swap3A_71, %swap3A_72] : memref<8x2x768xf32, #tpu.memory_space<vmem>>, vector<8x1x768xf32>
    %swap3A_74 = vector.shape_cast %swap3A_73 : vector<8x1x768xf32> to vector<8x768xf32>
    %swap3A_75 = vector.shape_cast %dot_general3A_69 : vector<8x768xf32> to vector<8x1x768xf32>
    tpu.vector_store %arg5[%swap3A_70, %swap3A_71, %swap3A_72], %swap3A_75 {strides = array<i32>} : memref<8x2x768xf32, #tpu.memory_space<vmem>>, vector<8x1x768xf32>,
    %iota3A_76 = tpu.iota {dimensions = array<i32: 0>} : vector<5x2x8x2xi32>
    %iota3A_77 = tpu.iota {dimensions = array<i32: 1>} : vector<5x2x8x2xi32>
    %mul3A_78 = arith.constant 2 : i32
    %mul3A_79 = vector.broadcast %mul3A_78 : i32 to vector<5x2x8x2xi32>
    %mul3A_80 = arith.muli %iota3A_76, %mul3A_79 : vector<5x2x8x2xi32>
    %add3A = arith.addi %mul3A_80, %iota3A_77 : vector<5x2x8x2xi32>
    %mul3A_81 = arith.constant 10 : i32
    %mul3A_82 = vector.broadcast %mul3A_81 : i32 to vector<5x2x8x2xi32>
    %mul3A_83 = arith.muli %add3A, %mul3A_82 : vector<5x2x8x2xi32>
    %broadcast_in_dim3A_84 = vector.shape_cast %concatenate3A : vector<8x2xi32> to vector<1x1x8x2xi32>
    %add3A_85 = vector.broadcast %broadcast_in_dim3A_84 : vector<1x1x8x2xi32> to vector<5x2x8x2xi32>
    %add3A_86 = arith.addi %mul3A_83, %add3A_85 : vector<5x2x8x2xi32>
    %swap3A_87 = arith.constant 0 : index
    %swap3A_88 = arith.constant 0 : index
    %swap3A_89 = arith.constant 0 : index
    %swap3A_90 = arith.constant 0 : index
    %swap3A_91 = vector.load %arg6[%swap3A_87, %swap3A_88, %swap3A_89, %swap3A_90] : memref<5x2x8x2xi32, #tpu.memory_space<vmem>>, vector<5x2x8x2xi32>
    tpu.vector_store %arg6[%swap3A_87, %swap3A_88, %swap3A_89, %swap3A_90], %add3A_86 {strides = array<i32>} : memref<5x2x8x2xi32, #tpu.memory_space<vmem>>, vector<5x2x8x2xi32>,
    %reduce_sum3A_92 = vector.shape_cast %broadcast_in_dim3A_29 : vector<8x1xf32> to vector<1x8x1xf32>
    %reduce_sum3A_93 = arith.constant dense<0.000000e+00> : vector<1xf32>
    %reduce_sum3A_94 = vector.multi_reduction <add>, %reduce_sum3A_92, %reduce_sum3A_93 [1, 2] : vector<1x8x1xf32> to vector<1xf32>
    %reduce_sum3A_95 = vector.shape_cast %reduce_sum3A_94 : vector<1xf32> to vector<1x1x1xf32>
    %reduce_sum3A_96 = vector.extract %reduce_sum3A_95[0, 0, 0] : f32 from vector<1x1x1xf32>
    %reduce_sum3A_97 = vector.shape_cast %broadcast_in_dim3A_41 : vector<8x1xf32> to vector<1x8x1xf32>
    %reduce_sum3A_98 = arith.constant dense<0.000000e+00> : vector<1xf32>
    %reduce_sum3A_99 = vector.multi_reduction <add>, %reduce_sum3A_97, %reduce_sum3A_98 [1, 2] : vector<1x8x1xf32> to vector<1xf32>
    %reduce_sum3A_100 = vector.shape_cast %reduce_sum3A_99 : vector<1xf32> to vector<1x1x1xf32>
    %reduce_sum3A_101 = vector.extract %reduce_sum3A_100[0, 0, 0] : f32 from vector<1x1x1xf32>
    %add3A_102 = arith.addf %reduce_sum3A_96, %reduce_sum3A_101 : f32
    %mul3A_103 = arith.constant 1.562500e-02 : f32
    %mul3A_104 = arith.mulf %add3A_102, %mul3A_103 : f32
    %eq3A_105 = arith.constant 0 : i32
    %eq3A_106 = arith.cmpi eq, %arg0, %eq3A_105 : i32
    %convert_element_type3A_107 = arith.extui %eq3A_106 : i1 to i32
    %cond3A = arith.constant 0 : i32
    %cond3A_108 = arith.cmpi ne, %convert_element_type3A_107, %cond3A : i32
    scf.if %cond3A_108 {
      %broadcast_in_dim3A_117 = arith.constant 0.000000e+00 : f32
      %broadcast_in_dim3A_118 = vector.broadcast %broadcast_in_dim3A_117 : f32 to vector<1x128xf32>
      %swap3A_119 = arith.constant 0 : index
      %swap3A_120 = arith.constant 0 : index
      %swap3A_121 = vector.load %arg7[%swap3A_119, %swap3A_120] : memref<1x128xf32, #tpu.memory_space<vmem>>, vector<1x128xf32>
      tpu.vector_store %arg7[%swap3A_119, %swap3A_120], %broadcast_in_dim3A_118 {strides = array<i32>} : memref<1x128xf32, #tpu.memory_space<vmem>>, vector<1x128xf32>,
    } else {
    }
    %get3A_109 = arith.constant 0 : index
    %get3A_110 = arith.constant 0 : index
    %get3A_111 = vector.load %arg7[%get3A_109, %get3A_110] : memref<1x128xf32, #tpu.memory_space<vmem>>, vector<1x128xf32>
    %add3A_112 = vector.broadcast %mul3A_104 : f32 to vector<1x128xf32>
    %add3A_113 = arith.addf %get3A_111, %add3A_112 : vector<1x128xf32>
    %swap3A_114 = arith.constant 0 : index
    %swap3A_115 = arith.constant 0 : index
    %swap3A_116 = vector.load %arg7[%swap3A_114, %swap3A_115] : memref<1x128xf32, #tpu.memory_space<vmem>>, vector<1x128xf32>
    tpu.vector_store %arg7[%swap3A_114, %swap3A_115], %add3A_113 {strides = array<i32>} : memref<1x128xf32, #tpu.memory_space<vmem>>, vector<1x128xf32>,
    return
  }
  func.func @transform_0(%arg0: i32) -> (i32, i32, i32) {
    %c0_i32 = arith.constant 0 : i32
    %c0_i32_0 = arith.constant 0 : i32
    %c0_i32_1 = arith.constant 0 : i32
    return %c0_i32, %arg0, %c0_i32_0 : i32, i32, i32
  }
  func.func @transform_1(%arg0: i32) -> (i32, i32) {
    %c0_i32 = arith.constant 0 : i32
    %c0_i32_0 = arith.constant 0 : i32
    %c0_i32_1 = arith.constant 0 : i32
    return %c0_i32, %c0_i32_0 : i32, i32
  }
  func.func @transform_2(%arg0: i32) -> (i32, i32) {
    %c0_i32 = arith.constant 0 : i32
    %c0_i32_0 = arith.constant 0 : i32
    return %arg0, %c0_i32 : i32, i32
  }
  func.func @transform_3(%arg0: i32) -> (i32, i32) {
    %c0_i32 = arith.constant 0 : i32
    %c0_i32_0 = arith.constant 0 : i32
    return %arg0, %c0_i32 : i32, i32
  }
  func.func @transform_4(%arg0: i32) -> (i32, i32, i32) {
    %c0_i32 = arith.constant 0 : i32
    %c0_i32_0 = arith.constant 0 : i32
    %c0_i32_1 = arith.constant 0 : i32
    return %arg0, %c0_i32, %c0_i32_0 : i32, i32, i32
  }
  func.func @transform_5(%arg0: i32) -> (i32, i32, i32, i32) {
    %c0_i32 = arith.constant 0 : i32
    %c0_i32_0 = arith.constant 0 : i32
    %c0_i32_1 = arith.constant 0 : i32
    %c0_i32_2 = arith.constant 0 : i32
    return %c0_i32, %c0_i32_0, %arg0, %c0_i32_1 : i32, i32, i32, i32
  }
  func.func @transform_6(%arg0: i32) -> (i32, i32) {
    %c0_i32 = arith.constant 0 : i32
    %c0_i32_0 = arith.constant 0 : i32
    %c0_i32_1 = arith.constant 0 : i32
    return %c0_i32, %c0_i32_0 : i32, i32
  }
}

</mosaic_0001>

<sc_bundles>
// kernel: kernel.4.cloned.1.call-start
scs
__scs_entry_jumppad:
0x0: {  	(pc) =	sbr.rel $0x88, $3  }
0x1: {  	(tag) =	ssettag $0x0;
	lr =	simm.s32 $0x1  }
0x2: {  	[smem:$0x3F9E] =	sst lr;
	_ =	strace $0xD0000000  }
0x3: {  	_ = 	snop  }
0x4: {  	_ = 	snop  }
0x5: {  	_ = 	snop  }
0x6: {  	_ = 	snop  }
0x7: {  	_ = 	snop  }
__scs_overlays_trampoline_lowered:
0x8: {  	[smem:$0x3FAD] =	sst s0  }
0x9: {  	[smem:$0x3FAE] =	sst s1  }
0xa: {  	[smem:$0x3FAF] =	sst s2  }
0xb: {  	[smem:$0x3FB0] =	sst s3  }
0xc: {  	[smem:$0x3FB1] =	sst s4  }
0xd: {  	[smem:$0x3FB2] =	sst s5  }
0xe: {  	[smem:$0x3FB3] =	sst s6  }
0xf: {  	[smem:$0x3FB4] =	sst s7  }
0x10: {  	[smem:$0x3FB5] =	sst s8  }
0x11: {  	[smem:$0x3FB6] =	sst s9;
	s0 =	simm.s32 @!p0 $0x0  }
0x12: {  	s1 =	sld [smem:$0x3F9C];
	s0 =	simm.s32 @p0 $0x1  }
0x13: {  	[smem:$0x3FB7] =	sst s0;
	s0 =	simm.s32 @!p1 $0x0  }
0x14: {  	s2 =	sld [smem:$0x3F9B];
	s0 =	simm.s32 @p1 $0x1  }
0x15: {  	[smem:$0x3FB8] =	sst s0;
	s0 =	simm.s32 @!p2 $0x0  }
0x16: {  	s3 =	sld [smem:$0x3FDB];
	s0 =	simm.s32 @p2 $0x1  }
0x17: {  	s4 =	simm.s32 $0x1BF5;
	[smem:$0x3FBA] =	sst s0  }
0x18: {  	s0 =	sld [smem:$0x3F9D];
	_ =	swait.ge [sflag:s4], $0x0  }
0x19: {  	s7 =	sld [smem:$0x3F9E]  }
0x1a: {  	s8 =	sadd.s32 $0xFFFFE003, lr  }
0x1b: {  	s9 =	sadd.s32 $0xFFFFFEF7, lr;
	s5 =	simm.s32 $0xFFFFFFFF;
	p2 =	slt.u32 s8, $0xFFFFF086  }
0x1c: {  	p1 =	slt.u32 s9, $0xF7A;
	s5 =	simm.s32 @!p2 $0x0  }
0x1d: {  	s5 =	simm.s32 @p1 $0x1;
	p0 =	seq.s32 s7, s2  }
0x1e: {  	s7 =	smul.u32 @!p0 $0xF7A, s2;
	p2 =	seq.s32 @!p0 s5, $0x0  }
0x1f: {  	s9 =	smul.u32 $0xF7A, s1;
	s8 =	simm.s32 @!p0 $0x1BF5;
	p2 =	por !p2, p0  }
0x20: {  	[sflag:s8] =	ssyncset.s32 @!p0 $0xFFFFF086;
	s6 =	sadd.s32 @!p0 s3, s7;
	s7 =	simm.s32 @!p0 $0x108  }
0x21: {  	s3 =	sadd.s32 s3, s9;
	s6 =	sadd.s32 @!p0 $0x88, s6;
	s7 =	simm.s32 @p2 $0x1082  }
0x22: {  	[simem:s7], [sflag:s8] =	dma.local @!p0 [hbm:s6], $0xF7A  }
0x23: {  	s9 =	sor.u32 $0xD0000000, s2;
	s6 =	simm.s32 $0x108;
	_ =	swait.ge @!p0 [sflag:s8], $0x0  }
0x24: {  	s3 =	sadd.s32 $0x88, s3;
	s6 =	simm.s32 @!p1 $0x1082;
	[sflag:s4] =	ssyncset.s32 $0xFFFFF086  }
0x25: {  	[simem:s6], [sflag:s4] =	dma.local [hbm:s3], $0xF7A  }
0x26: {  	[smem:$0x3F9E] =	sst s1;
	(tag) =	ssettag s2;
	_ =	strace s9  }
0x27: {  	s1 =	sld [smem:$0x3FAE]  }
0x28: {  	s2 =	sld [smem:$0x3FAF]  }
0x29: {  	s4 =	sld [smem:$0x3FB1]  }
0x2a: {  	p0 =	seq.s32 s5, $0x0;
	s5 =	sld [smem:$0x3FB2]  }
0x2b: {  	s6 =	sld [smem:$0x3FB3]  }
0x2c: {  	s7 =	sld [smem:$0x3FB4]  }
0x2d: {  	s3 =	simm.s32 $0x108;
	s8 =	sld [smem:$0x3FB5]  }
0x2e: {  	s3 =	simm.s32 @!p0 $0x1082;
	s9 =	sld [smem:$0x3FB6]  }
0x2f: {  	lr =	sadd.s32 s0, s3;
	s0 =	sld [smem:$0x3FAD]  }
0x30: {  	s3 =	sld [smem:$0x3FB0]  }
0x31: {  	[smem:$0x3FB9] =	sst s10  }
0x32: {  	s10 =	sld [smem:$0x3FB7];
	_ =	sdelay $0x3  }
0x33: {  	p0 =	seq.s32 s10, $0x1;
	s10 =	sld [smem:$0x3FB9];
	_ =	sdelay $0x3  }
0x34: {  	[smem:$0x3FB9] =	sst s10  }
0x35: {  	s10 =	sld [smem:$0x3FB8];
	_ =	sdelay $0x3  }
0x36: {  	p1 =	seq.s32 s10, $0x1;
	s10 =	sld [smem:$0x3FB9];
	_ =	sdelay $0x3  }
0x37: {  	[smem:$0x3FB9] =	sst s10  }
0x38: {  	s10 =	sld [smem:$0x3FBA]  }
0x39: {  	_ = 	snop;
	(pc) =	sbr.ind lr, $3  }
0x3a: {  	_ = 	snop  }
0x3b: {  	_ = 	snop  }
0x3c: {  	p2 =	seq.s32 s10, $0x1;
	s10 =	sld [smem:$0x3FB9]  }
0x3d: {  	_ =	shalt  }
0x3e: {  	_ =	shalt  }
0x3f: {  	_ =	shalt  }
0x40: {  	_ =	shalt  }
0x41: {  	_ =	shalt  }
0x42: {  	_ =	shalt  }
0x43: {  	_ =	shalt  }
0x44: {  	_ =	shalt  }
0x45: {  	_ =	shalt  }
0x46: {  	_ =	shalt  }
0x47: {  	_ =	shalt  }
0x48: {  	_ =	shalt  }
0x49: {  	_ =	shalt  }
0x4a: {  	_ =	shalt  }
0x4b: {  	_ =	shalt  }
0x4c: {  	_ =	shalt  }
0x4d: {  	_ =	shalt  }
0x4e: {  	_ =	shalt  }
0x4f: {  	_ =	shalt  }
0x50: {  	_ =	shalt  }
0x51: {  	_ =	shalt  }
0x52: {  	_ =	shalt  }
0x53: {  	_ =	shalt  }
0x54: {  	_ =	shalt  }
0x55: {  	_ =	shalt  }
0x56: {  	_ =	shalt  }
0x57: {  	_ =	shalt  }
0x58: {  	_ =	shalt  }
0x59: {  	_ =	shalt  }
0x5a: {  	_ =	shalt  }
0x5b: {  	_ =	shalt  }
0x5c: {  	_ =	shalt  }
0x5d: {  	_ =	shalt  }
0x5e: {  	_ =	shalt  }
0x5f: {  	_ =	shalt  }
0x60: {  	_ =	shalt  }
0x61: {  	_ =	shalt  }
0x62: {  	_ =	shalt  }
0x63: {  	_ =	shalt  }
0x64: {  	_ =	shalt  }
0x65: {  	_ =	shalt  }
0x66: {  	_ =	shalt  }
0x67: {  	_ =	shalt  }
0x68: {  	_ =	shalt  }
0x69: {  	_ =	shalt  }
0x6a: {  	_ =	shalt  }
0x6b: {  	_ =	shalt  }
0x6c: {  	_ =	shalt  }
0x6d: {  	_ =	shalt  }
0x6e: {  	_ =	shalt  }
0x6f: {  	_ =	shalt  }
0x70: {  	_ =	shalt  }
0x71: {  	_ =	shalt  }
0x72: {  	_ =	shalt  }
0x73: {  	_ =	shalt  }
0x74: {  	_ =	shalt  }
0x75: {  	_ =	shalt  }
0x76: {  	_ =	shalt  }
0x77: {  	_ =	shalt  }
0x78: {  	_ =	shalt  }
0x79: {  	_ =	shalt  }
0x7a: {  	_ =	shalt  }
0x7b: {  	_ =	shalt  }
0x7c: {  	_ =	shalt  }
0x7d: {  	_ =	shalt  }
0x7e: {  	_ =	shalt  }
0x7f: {  	_ =	shalt  }
0x80: {  	_ =	shalt  }
0x81: {  	_ =	shalt  }
0x82: {  	_ =	shalt  }
0x83: {  	_ =	shalt  }
0x84: {  	_ =	shalt  }
0x85: {  	_ =	shalt  }
0x86: {  	_ =	shalt  }
0x87: {  	_ =	shalt  }
.Lfunc_end0:
.L_simem_size_0:
called_computation_lowered:
.L_overlay_start_0:
0x88: {  	s2 =	sld [smem:$0x3FD9]  }
0x89: {  	s3 =	sld [smem:$0x3FFE];
	_ =	sdelay $0x1  }
0x8a: {  	s1 =	srdreg.scid  }
0x8b: {  	s0 =	sand.u32 $0x1, s1  }
0x8c: {  	s14 =	sshll.u32 s0, $0xA;
	s2 =	sadd.s32 s3, s2  }
0x8d: {  	s2 =	sadd.s32 s2, s14  }
0x8e: {  	[smem:$0x3FC5] =	sst s2  }
0x8f: {  	_ = 	snop  }
0x90: {  	s2 =	sld [smem:$0x3FD0];
	_ =	sdelay $0x2  }
0x91: {  	s15 =	simm.s32 $0xA;
	s4 =	simm.s32 $0x10  }
0x92: {  	[smem:s4], [sflag:s15] =	dma.local [hbm:s2], $0x1  }
0x93: {  	_ =	swait.eq [sflag:s15], $0x1  }
0x94: {  	[sflag:s15] =	ssyncset.done $0x0  }
0x95: {  	[sflag:s15] =	ssyncadd.s32 $0xFFFFFFFF  }
0x96: {  	s16 =	sld [smem:$0x10];
	(tm) =	ssettm $0x1  }
0x97: {  	s17 =	sld [smem:$0x3FFB];
	_ =	sdelay $0x3  }
0x98: {  	_ =	strace s17  }
0x99: {  	s3 =	sld [smem:$0x3FFC];
	_ =	sdelay $0x3  }
0x9a: {  	_ =	strace s3  }
0x9b: {  	s3 =	sld [smem:$0x3FFD];
	_ =	sdelay $0x3  }
0x9c: {  	_ =	strace s3  }
0x9d: {  	_ =	strace $0x8FFFFFFF  }
0x9e: {  	s18 =	sld [smem:$0x3FDB];
	_ =	sdelay $0x1  }
0x9f: {  	s19 =	simm.s32 $_scs_section_size  }
0xa0: {  	s5 =	simm.s32 $_size__tile_overlayer_lowered;
	s6 =	simm.s32 $_tile_overlayer_lowered  }
0xa1: {  	s22 =	simm.s32 $0x1BFF;
	s21 =	sshll.u32 s6, $0x1;
	s3 =	sadd.s32 s19, s18  }
0xa2: {  	s7 =	simm.s32 $0x0;
	s20 =	sshll.u32 s5, $0x1;
	s5 =	sadd.s32 s21, s3  }
0xa3: {  	[timem:s7], [sflag:s22] =	dma.local [hbm:s5], s20  }
0xa4: {  	_ =	swait.ge [sflag:s22], s20  }
0xa5: {  	s4 =	ssub.s32 $0x0, s20;
	[sflag:s22] =	ssyncset.done $0x0  }
0xa6: {  	[sflag:s22] =	ssyncadd.s32 s4;
	_ =	sdelay $0x1  }
0xa7: {  	s23 =	simm.s32 $0x1B8B  }
0xa8: {  	_ =	swait.ge [sflag:s23], $0x1  }
0xa9: {  	[sflag:s23] =	ssyncset.done $0x0  }
0xaa: {  	s25 =	simm.s32 $0x1B8E;
	s24 =	sld [smem:$0x3FFE];
	[sflag:s23] =	ssyncadd.s32 $0xFFFFFFFF  }
0xab: {  	s26 =	simm.s32 $execute0_lowered;
	[smem:$0x3FD2] =	sst s25  }
0xac: {  	s5 =	sshll.u32 s26, $0x1;
	_ =	strace $0x80000046;
	[dreg:$0x1] =	wrdreg $0xFFFFFFFF  }
0xad: {  	s28 =	simm.s32 $_size_execute0_lowered;
	s3 =	sadd.s32 s3, s5;
	[dreg:$0x0] =	wrdreg $0x0  }
0xae: {  	s5 =	sshll.u32 s28, $0x1;
	[dreg:$0x2] =	wrdreg s3  }
0xaf: {  	[dreg:$0x3] =	wrdreg s5  }
0xb0: {  	[dreg:$0x4] =	wrdreg $0xC0  }
0xb1: {  	_ =	task [dreg:s7], $0x5FFFF  }
0xb2: {  	[dreg:$0x1] =	wrdreg $0xFFFFFFFF  }
0xb3: {  	[dreg:$0x0] =	wrdreg $0x60  }
0xb4: {  	[dreg:$0x2] =	wrdreg s24  }
0xb5: {  	[dreg:$0x3] =	wrdreg s16  }
0xb6: {  	[dreg:$0x4] =	wrdreg $0x9  }
0xb7: {  	_ =	task.clear_ibuf [dreg:s7], $0x5FFFF;
	_ =	strace $0x90000046  }
0xb8: {  	s29 =	simm.s32 $0x9;
	_ =	strace $0x80000048  }
0xb9: {  	_ =	swait.ge [sflag:s29], $0x1  }
0xba: {  	[sflag:s29] =	ssyncadd.s32 $0xFFFFFFFF  }
0xbb: {  	_ =	strace $0x90000048  }
0xbc: {  	_ =	sfence  }
0xbd: {  	s30 =	sld [smem:$0x0];
	_ =	sdelay $0x2  }
0xbe: {  	s31 =	sshll.u32 s1, $0xD;
	s1 =	sshrl.u32 s1, $0x2  }
0xbf: {  	s3 =	sand.u32 $0x4000, s31;
	s1 =	sadd.s32 s1, s30  }
0xc0: {  	s0 =	sor.u32 s3, s0;
	s1 =	sshll.u32 s1, $0x11  }
0xc1: {  	s0 =	sor.u32 s1, s0  }
0xc2: {  	s0 =	sadd.s32 $0x8F2B, s0  }
0xc3: {  	[sflag:s0] =	ssyncadd.remote.s32 $0x1  }
0xc4: {  	_ =	sfence.sel $0xFFFF  }
0xc5: {  	[dreg:$0x0] =	wrdreg $0xFFFFFFFF;
	(pc) =	sbr.abs _section_cstart, $3  }
0xc6: {  	[dreg:$0x1] =	wrdreg $0xFFFFFFFF  }
0xc7: {  	_ =	task.clear_ibuf [dreg:s7], $0x2FFFF;
	_ =	strace $0x9FFFFFFF  }
0xc8: {  	(tm) =	ssettm $0x7FFFFFFF  }
0xc9: {  	_ =	shalt  }
tec
execute0_lowered:
.L_overlay_start_1:
0x0: {  	(tag) =	ssettag $0x1  }
0x1: {  	s0 =	srdreg.scid  }
0x2: {  	s2 =	stileid.u32;
	s3 =	rddreg [dreg:$0x1]  }
0x3: {  	s1 =	sand.u32 $0x1, s0;
	s5 =	sshll.u32 s2, $0x1;
	s2 =	simm.s32 $0x0  }
0x4: {  	s0 =	sor.u32 s1, s5;
	[smem:$0x7FF] =	sst s2  }
0x5: {  	s8 =	simm.s32 $0x7880;
	s6 =	smul.u32 $0x28, s0;
	s0 =	rddreg [dreg:$0x0]  }
0x6: {  	s9 =	simm.s32 $0x8080;
	_ =	strace $0x80000047;
	[dreg:$0x6] =	wrdreg s8  }
0x7: {  	s10 =	simm.s32 $0x8880;
	[dreg:$0x7] =	wrdreg s9  }
0x8: {  	s11 =	simm.s32 $0x9080;
	[dreg:$0x8] =	wrdreg s10  }
0x9: {  	s12 =	simm.s32 $0x9880;
	[dreg:$0x9] =	wrdreg s11  }
0xa: {  	s13 =	simm.s32 $0xA080;
	[dreg:$0xa] =	wrdreg s12  }
0xb: {  	s14 =	simm.s32 $0xA880;
	[dreg:$0xb] =	wrdreg s13  }
0xc: {  	s15 =	simm.s32 $0xB080;
	[dreg:$0xc] =	wrdreg s14  }
0xd: {  	s16 =	simm.s32 $0xB880;
	[dreg:$0xd] =	wrdreg s15  }
0xe: {  	s17 =	simm.s32 $0xC080;
	[dreg:$0xe] =	wrdreg s16  }
0xf: {  	s18 =	simm.s32 $0xC880;
	[dreg:$0xf] =	wrdreg s17  }
0x10: {  	s19 =	simm.s32 $0xD080;
	[dreg:$0x10] =	wrdreg s18  }
0x11: {  	s20 =	simm.s32 $0xD880;
	[dreg:$0x11] =	wrdreg s19  }
0x12: {  	s21 =	simm.s32 $0xE080;
	[dreg:$0x12] =	wrdreg s20  }
0x13: {  	s22 =	simm.s32 $0xE880;
	[dreg:$0x13] =	wrdreg s21  }
0x14: {  	s23 =	simm.s32 $0xF880;
	[dreg:$0x14] =	wrdreg s22  }
0x15: {  	s24 =	simm.s32 $0x10080;
	[dreg:$0x15] =	wrdreg s23  }
0x16: {  	s25 =	simm.s32 $0x10880;
	[dreg:$0x16] =	wrdreg s24  }
0x17: {  	s26 =	simm.s32 $0x11080;
	[dreg:$0x17] =	wrdreg s25  }
0x18: {  	s30 =	simm.s32 $0x11880;
	[dreg:$0x18] =	wrdreg s26  }
0x19: {  	s31 =	simm.s32 $0x12080;
	[dreg:$0x19] =	wrdreg s30  }
0x1a: {  	[dreg:$0x1a] =	wrdreg s31;
	s8 =	simm.s32 $0x13880  }
0x1b: {  	s9 =	simm.s32 $0x14080;
	[dreg:$0x1d] =	wrdreg s8  }
0x1c: {  	s10 =	simm.s32 $0x14880;
	[dreg:$0x1e] =	wrdreg s9  }
0x1d: {  	s11 =	simm.s32 $0x15080;
	[dreg:$0x1f] =	wrdreg s10  }
0x1e: {  	s12 =	simm.s32 $0x15880;
	[smem:$0x7EC] =	sst s11  }
0x1f: {  	s13 =	simm.s32 $0x16080;
	[smem:$0x7ED] =	sst s12  }
0x20: {  	s14 =	simm.s32 $0x16880;
	[smem:$0x7EE] =	sst s13  }
0x21: {  	s15 =	simm.s32 $0x17080;
	[smem:$0x7EF] =	sst s14  }
0x22: {  	s28 =	simm.s32 $0x3;
	s16 =	simm.s32 $0x17880;
	[smem:$0x7F0] =	sst s15  }
0x23: {  	s29 =	simm.s32 $0x4880;
	s17 =	simm.s32 $0x18080;
	[smem:$0x7F1] =	sst s16  }
0x24: {  	s1 =	ssub.s32 $0x2, s1;
	s18 =	simm.s32 $0x18880;
	[smem:$0x7F2] =	sst s17  }
0x25: {  	s19 =	simm.s32 $0x19080;
	s20 =	simm.s32 $0x19880;
	[smem:$0x7F3] =	sst s18  }
0x26: {  	s21 =	simm.s32 $0x1A080;
	s22 =	simm.s32 $0x1A880;
	[smem:$0x7F4] =	sst s19  }
0x27: {  	s23 =	simm.s32 $0x1B080;
	s24 =	simm.s32 $0x1B880;
	[smem:$0x7F5] =	sst s20  }
0x28: {  	s25 =	simm.s32 $0x1C080;
	s26 =	simm.s32 $0x1C880;
	[smem:$0x7F6] =	sst s21  }
0x29: {  	s30 =	simm.s32 $0x1D080;
	s31 =	simm.s32 $0x1D880;
	[smem:$0x7F7] =	sst s22  }
0x2a: {  	s8 =	sadd.s32 $0x1000, s0;
	s9 =	sadd.s32 $0x1100, s0;
	[smem:$0x7F8] =	sst s23  }
0x2b: {  	s10 =	sadd.s32 $0x1200, s0;
	s11 =	sadd.s32 $0x1300, s0;
	[smem:$0x7F9] =	sst s24  }
0x2c: {  	s12 =	sadd.s32 $0x1400, s0;
	s13 =	sadd.s32 $0x1500, s0;
	[smem:$0x7FA] =	sst s25  }
0x2d: {  	s14 =	sadd.s32 $0x1600, s0;
	s15 =	sadd.s32 $0x1700, s0;
	[smem:$0x7FB] =	sst s26  }
0x2e: {  	s16 =	sadd.s32 $0x1800, s0;
	s17 =	sadd.s32 $0x1900, s0;
	[smem:$0x7FC] =	sst s30  }
0x2f: {  	s18 =	sadd.s32 $0x1A00, s0;
	[smem:$0x7FD] =	sst s31;
	s25 =	simm.s32 $0x1  }
0x30: {  	s22 =	simm.s32 $0x2080;
	s23 =	simm.s32 $0x2880;
	s4 =	sshrl.u32 s6, $0x3  }
0x31: {  	s6 =	simm.s32 $0x13080;
	s5 =	smul.u32 $0xF00, s4;
	s4 =	sadd.s32 s4, s0  }
0x32: {  	s24 =	simm.s32 $0x3080;
	[dreg:$0x1c] =	wrdreg s6;
	s4 =	sadd.s32 $0xA00, s4  }
0x33: {  	s26 =	simm.s32 $0x4080;
	s5 =	sadd.s32 s3, s5;
	[dreg:$0x3] =	wrdreg s4  }
0x34: {  	s21 =	simm.s32 $0x6080;
	s3 =	sadd.s32 $0x1E00, s5;
	[smem:$0x7EB] =	sst s5  }
0x35: {  	s20 =	simm.s32 $0x6880;
	s7 =	sadd.s32 $0x3C00, s5;
	[dreg:$0x4] =	wrdreg s3  }
0x36: {  	s6 =	sadd.s32 $0xE00, s0;
	s5 =	simm.s32 $0x12880;
	[dreg:$0x5] =	wrdreg s7  }
0x37: {  	v2 =	vlaneseq.u32;
	s4 =	sadd.s32 $0xC00, s0;
	[dreg:$0x1b] =	wrdreg s5;
	s7 =	sshrl.u32 s1, $0x1  }
0x38: {  	vm0 =	vmmov $0xffff;
	v1 =	vshrl.u32 v2, $0x3;
	s5 =	sadd.s32 $0xD00, s0;
	s3 =	simm.s32 $0x7080;
	s1 =	ssub.s32 s1, s7  }
0x39: {  	v0 =	vand.u32 $0x7, v2;
	v2 =	vor.u32 $0x8, v2;
	v1 =	vmul.u32 $0x8, v1;
	s7 =	sadd.s32 $0xF00, s0;
	s19 =	smax.u32 s1, $0x1;
	s1 =	simm.s32 $0x80  }
.LBB2_1:
0x3a: {  	s30 =	rddreg [dreg:$0x3];
	s0 =	simm.s32 $0x5  }
0x3b: {  	[tilespmem:s2], [sflag:$0x5] =	stream.linear.gather [hbm4b:s30+s2], $0x28, $0x38;
	[tilespmem:$0x1E080] =	vst v63  }
0x3c: {  	_ =	swait.ge [sflag:s0], $0x28  }
0x3d: {  	[sflag:s0] =	ssyncset.done $0x0  }
0x3e: {  	[sflag:s0] =	ssyncadd.s32 $0xFFFFFFD8  }
0x3f: {  	v3 =	vld [tilespmem:$0x0];
	_ =	sdelay $0x4  }
0x40: {  	v4 =	vshrl.u32 v3, $0x3  }
0x41: {  	v4 =	vmul.u32 $0xF0, v4  }
0x42: {  	v3 =	vand.u32 $0x7, v3  }
0x43: {  	v3 =	vor.u32 v3, v4  }
0x44: {  	v4 =	vperm.xlane v3, v0;
	_ =	sdelay $0x1  }
0x45: {  	v4 =	vadd.s32 v1, v4;
	_ =	sdelay $0x4  }
0x46: {  	[tilespmem:s1], [sflag:$0x1] =	stream.indirect_vreg.gather [hbm4b:s4+s2], $0x80, v4, vm0, $0xb8;
	[tilespmem:$0x1E080] =	vst v63  }
0x47: {  	s30 =	simm.s32 $0x880  }
0x48: {  	[tilespmem:s30], [sflag:$0x1] =	stream.indirect_vreg.gather [hbm4b:s5+s2], $0x80, v4, vm0, $0xb8;
	[tilespmem:$0x1E080] =	vst v63  }
0x49: {  	s31 =	simm.s32 $0x1080  }
0x4a: {  	[tilespmem:s31], [sflag:$0x1] =	stream.indirect_vreg.gather [hbm4b:s6+s2], $0x80, v4, vm0, $0xb8;
	[tilespmem:$0x1E080] =	vst v63  }
0x4b: {  	s30 =	simm.s32 $0x1880  }
0x4c: {  	[tilespmem:s30], [sflag:$0x1] =	stream.indirect_vreg.gather [hbm4b:s7+s2], $0x80, v4, vm0, $0xb8;
	[tilespmem:$0x1E080] =	vst v63  }
0x4d: {  	_ = 	snop  }
0x4e: {  	[tilespmem:s22], [sflag:$0x1] =	stream.indirect_vreg.gather [hbm4b:s8+s2], $0x80, v4, vm0, $0xb8;
	[tilespmem:$0x1E080] =	vst v63  }
0x4f: {  	_ = 	snop  }
0x50: {  	[tilespmem:s23], [sflag:$0x1] =	stream.indirect_vreg.gather [hbm4b:s9+s2], $0x80, v4, vm0, $0xb8;
	[tilespmem:$0x1E080] =	vst v63  }
0x51: {  	_ = 	snop  }
0x52: {  	[tilespmem:s24], [sflag:$0x1] =	stream.indirect_vreg.gather [hbm4b:s10+s2], $0x80, v4, vm0, $0xb8;
	[tilespmem:$0x1E080] =	vst v63  }
0x53: {  	s31 =	simm.s32 $0x3880  }
0x54: {  	[tilespmem:s31], [sflag:$0x1] =	stream.indirect_vreg.gather [hbm4b:s11+s2], $0x80, v4, vm0, $0xb8;
	[tilespmem:$0x1E080] =	vst v63  }
0x55: {  	_ = 	snop  }
0x56: {  	[tilespmem:s26], [sflag:$0x1] =	stream.indirect_vreg.gather [hbm4b:s12+s2], $0x80, v4, vm0, $0xb8;
	[tilespmem:$0x1E080] =	vst v63  }
0x57: {  	_ = 	snop  }
0x58: {  	[tilespmem:s29], [sflag:$0x1] =	stream.indirect_vreg.gather [hbm4b:s13+s2], $0x80, v4, vm0, $0xb8;
	[tilespmem:$0x1E080] =	vst v63  }
0x59: {  	s30 =	simm.s32 $0x5080  }
0x5a: {  	[tilespmem:s30], [sflag:$0x1] =	stream.indirect_vreg.gather [hbm4b:s14+s2], $0x80, v4, vm0, $0xb8;
	[tilespmem:$0x1E080] =	vst v63  }
0x5b: {  	s31 =	simm.s32 $0x5880  }
0x5c: {  	[tilespmem:s31], [sflag:$0x1] =	stream.indirect_vreg.gather [hbm4b:s15+s2], $0x80, v4, vm0, $0xb8;
	[tilespmem:$0x1E080] =	vst v63  }
0x5d: {  	v3 =	vperm.xlane v3, v2  }
0x5e: {  	[tilespmem:s21], [sflag:$0x1] =	stream.indirect_vreg.gather [hbm4b:s16+s2], $0x80, v4, vm0, $0xb8;
	[tilespmem:$0x1E080] =	vst v63  }
0x5f: {  	v3 =	vadd.s32 v1, v3  }
0x60: {  	[tilespmem:s20], [sflag:$0x1] =	stream.indirect_vreg.gather [hbm4b:s17+s2], $0x80, v4, vm0, $0xb8;
	[tilespmem:$0x1E080] =	vst v63  }
0x61: {  	_ = 	snop  }
0x62: {  	[tilespmem:s3], [sflag:$0x1] =	stream.indirect_vreg.gather [hbm4b:s18+s2], $0x80, v4, vm0, $0xb8;
	[tilespmem:$0x1E080] =	vst v63  }
0x63: {  	s0 =	rddreg [dreg:$0x6]  }
0x64: {  	[tilespmem:s0], [sflag:$0x1] =	stream.indirect_vreg.gather [hbm4b:s4+s2], $0x80, v3, vm0, $0xb8;
	[tilespmem:$0x1E080] =	vst v63  }
0x65: {  	s31 =	rddreg [dreg:$0x7]  }
0x66: {  	[tilespmem:s31], [sflag:$0x1] =	stream.indirect_vreg.gather [hbm4b:s5+s2], $0x80, v3, vm0, $0xb8;
	[tilespmem:$0x1E080] =	vst v63  }
0x67: {  	s0 =	rddreg [dreg:$0x8]  }
0x68: {  	[tilespmem:s0], [sflag:$0x1] =	stream.indirect_vreg.gather [hbm4b:s6+s2], $0x80, v3, vm0, $0xb8;
	[tilespmem:$0x1E080] =	vst v63  }
0x69: {  	s31 =	rddreg [dreg:$0x9]  }
0x6a: {  	[tilespmem:s31], [sflag:$0x1] =	stream.indirect_vreg.gather [hbm4b:s7+s2], $0x80, v3, vm0, $0xb8;
	[tilespmem:$0x1E080] =	vst v63  }
0x6b: {  	s0 =	rddreg [dreg:$0xa]  }
0x6c: {  	[tilespmem:s0], [sflag:$0x1] =	stream.indirect_vreg.gather [hbm4b:s8+s2], $0x80, v3, vm0, $0xb8;
	[tilespmem:$0x1E080] =	vst v63  }
0x6d: {  	s31 =	rddreg [dreg:$0xb]  }
0x6e: {  	[tilespmem:s31], [sflag:$0x1] =	stream.indirect_vreg.gather [hbm4b:s9+s2], $0x80, v3, vm0, $0xb8;
	[tilespmem:$0x1E080] =	vst v63  }
0x6f: {  	s0 =	rddreg [dreg:$0xc]  }
0x70: {  	[tilespmem:s0], [sflag:$0x1] =	stream.indirect_vreg.gather [hbm4b:s10+s2], $0x80, v3, vm0, $0xb8;
	[tilespmem:$0x1E080] =	vst v63  }
0x71: {  	s31 =	rddreg [dreg:$0xd]  }
0x72: {  	[tilespmem:s31], [sflag:$0x1] =	stream.indirect_vreg.gather [hbm4b:s11+s2], $0x80, v3, vm0, $0xb8;
	[tilespmem:$0x1E080] =	vst v63  }
0x73: {  	s0 =	rddreg [dreg:$0xe]  }
0x74: {  	[tilespmem:s0], [sflag:$0x1] =	stream.indirect_vreg.gather [hbm4b:s12+s2], $0x80, v3, vm0, $0xb8;
	[tilespmem:$0x1E080] =	vst v63  }
0x75: {  	s31 =	rddreg [dreg:$0xf]  }
0x76: {  	[tilespmem:s31], [sflag:$0x1] =	stream.indirect_vreg.gather [hbm4b:s13+s2], $0x80, v3, vm0, $0xb8;
	[tilespmem:$0x1E080] =	vst v63  }
0x77: {  	s0 =	rddreg [dreg:$0x10]  }
0x78: {  	[tilespmem:s0], [sflag:$0x1] =	stream.indirect_vreg.gather [hbm4b:s14+s2], $0x80, v3, vm0, $0xb8;
	[tilespmem:$0x1E080] =	vst v63  }
0x79: {  	s31 =	rddreg [dreg:$0x11]  }
0x7a: {  	[tilespmem:s31], [sflag:$0x1] =	stream.indirect_vreg.gather [hbm4b:s15+s2], $0x80, v3, vm0, $0xb8;
	[tilespmem:$0x1E080] =	vst v63  }
0x7b: {  	s0 =	rddreg [dreg:$0x12]  }
0x7c: {  	[tilespmem:s0], [sflag:$0x1] =	stream.indirect_vreg.gather [hbm4b:s16+s2], $0x80, v3, vm0, $0xb8;
	[tilespmem:$0x1E080] =	vst v63  }
0x7d: {  	s31 =	rddreg [dreg:$0x13]  }
0x7e: {  	[tilespmem:s31], [sflag:$0x1] =	stream.indirect_vreg.gather [hbm4b:s17+s2], $0x80, v3, vm0, $0xb8;
	[tilespmem:$0x1E080] =	vst v63  }
0x7f: {  	s0 =	rddreg [dreg:$0x14]  }
0x80: {  	[tilespmem:s0], [sflag:$0x1] =	stream.indirect_vreg.gather [hbm4b:s18+s2], $0x80, v3, vm0, $0xb8;
	[tilespmem:$0x1E080] =	vst v63  }
0x81: {  	v3 =	vld [tilespmem:$0x10];
	_ =	sdelay $0x4  }
0x82: {  	v62 =	vshrl.u32 v3, $0x3  }
0x83: {  	v4 =	vmul.u32 $0xF0, v62  }
0x84: {  	v3 =	vand.u32 $0x7, v3  }
0x85: {  	v3 =	vor.u32 v3, v4  }
0x86: {  	v4 =	vperm.xlane v3, v0;
	_ =	sdelay $0x1  }
0x87: {  	v4 =	vadd.s32 v1, v4;
	_ =	sdelay $0x3  }
0x88: {  	s30 =	rddreg [dreg:$0x15];
	s0 =	simm.s32 $0xF080  }
0x89: {  	[tilespmem:s0], [sflag:$0x2] =	stream.indirect_vreg.gather [hbm4b:s4+s2], $0x80, v4, vm0, $0xb8;
	[tilespmem:$0x1E080] =	vst v63  }
0x8a: {  	s31 =	rddreg [dreg:$0x16]  }
0x8b: {  	[tilespmem:s30], [sflag:$0x2] =	stream.indirect_vreg.gather [hbm4b:s5+s2], $0x80, v4, vm0, $0xb8;
	[tilespmem:$0x1E080] =	vst v63  }
0x8c: {  	s30 =	rddreg [dreg:$0x17]  }
0x8d: {  	[tilespmem:s31], [sflag:$0x2] =	stream.indirect_vreg.gather [hbm4b:s6+s2], $0x80, v4, vm0, $0xb8;
	[tilespmem:$0x1E080] =	vst v63  }
0x8e: {  	s31 =	rddreg [dreg:$0x18]  }
0x8f: {  	[tilespmem:s30], [sflag:$0x2] =	stream.indirect_vreg.gather [hbm4b:s7+s2], $0x80, v4, vm0, $0xb8;
	[tilespmem:$0x1E080] =	vst v63  }
0x90: {  	s30 =	rddreg [dreg:$0x19]  }
0x91: {  	[tilespmem:s31], [sflag:$0x2] =	stream.indirect_vreg.gather [hbm4b:s8+s2], $0x80, v4, vm0, $0xb8;
	[tilespmem:$0x1E080] =	vst v63  }
0x92: {  	s31 =	rddreg [dreg:$0x1a]  }
0x93: {  	[tilespmem:s30], [sflag:$0x2] =	stream.indirect_vreg.gather [hbm4b:s9+s2], $0x80, v4, vm0, $0xb8;
	[tilespmem:$0x1E080] =	vst v63  }
0x94: {  	s30 =	rddreg [dreg:$0x1b]  }
0x95: {  	[tilespmem:s31], [sflag:$0x2] =	stream.indirect_vreg.gather [hbm4b:s10+s2], $0x80, v4, vm0, $0xb8;
	[tilespmem:$0x1E080] =	vst v63  }
0x96: {  	s31 =	rddreg [dreg:$0x1c]  }
0x97: {  	[tilespmem:s30], [sflag:$0x2] =	stream.indirect_vreg.gather [hbm4b:s11+s2], $0x80, v4, vm0, $0xb8;
	[tilespmem:$0x1E080] =	vst v63  }
0x98: {  	s30 =	rddreg [dreg:$0x1d]  }
0x99: {  	[tilespmem:s31], [sflag:$0x2] =	stream.indirect_vreg.gather [hbm4b:s12+s2], $0x80, v4, vm0, $0xb8;
	[tilespmem:$0x1E080] =	vst v63  }
0x9a: {  	s31 =	rddreg [dreg:$0x1e]  }
0x9b: {  	[tilespmem:s30], [sflag:$0x2] =	stream.indirect_vreg.gather [hbm4b:s13+s2], $0x80, v4, vm0, $0xb8;
	[tilespmem:$0x1E080] =	vst v63  }
0x9c: {  	s30 =	rddreg [dreg:$0x1f]  }
0x9d: {  	[tilespmem:s31], [sflag:$0x2] =	stream.indirect_vreg.gather [hbm4b:s14+s2], $0x80, v4, vm0, $0xb8;
	[tilespmem:$0x1E080] =	vst v63  }
0x9e: {  	s31 =	sld [smem:$0x7EC]  }
0x9f: {  	[tilespmem:s30], [sflag:$0x2] =	stream.indirect_vreg.gather [hbm4b:s15+s2], $0x80, v4, vm0, $0xb8;
	[tilespmem:$0x1E080] =	vst v63  }
0xa0: {  	v3 =	vperm.xlane v3, v2;
	s30 =	sld [smem:$0x7ED]  }
0xa1: {  	[tilespmem:s31], [sflag:$0x2] =	stream.indirect_vreg.gather [hbm4b:s16+s2], $0x80, v4, vm0, $0xb8;
	[tilespmem:$0x1E080] =	vst v63  }
0xa2: {  	v3 =	vadd.s32 v1, v3;
	s31 =	sld [smem:$0x7EE]  }
0xa3: {  	[tilespmem:s30], [sflag:$0x2] =	stream.indirect_vreg.gather [hbm4b:s17+s2], $0x80, v4, vm0, $0xb8;
	[tilespmem:$0x1E080] =	vst v63  }
0xa4: {  	s30 =	sld [smem:$0x7EF]  }
0xa5: {  	[tilespmem:s31], [sflag:$0x2] =	stream.indirect_vreg.gather [hbm4b:s18+s2], $0x80, v4, vm0, $0xb8;
	[tilespmem:$0x1E080] =	vst v63  }
0xa6: {  	s31 =	sld [smem:$0x7F0]  }
0xa7: {  	[tilespmem:s30], [sflag:$0x2] =	stream.indirect_vreg.gather [hbm4b:s4+s2], $0x80, v3, vm0, $0xb8;
	[tilespmem:$0x1E080] =	vst v63  }
0xa8: {  	s30 =	sld [smem:$0x7F1]  }
0xa9: {  	[tilespmem:s31], [sflag:$0x2] =	stream.indirect_vreg.gather [hbm4b:s5+s2], $0x80, v3, vm0, $0xb8;
	[tilespmem:$0x1E080] =	vst v63  }
0xaa: {  	s31 =	sld [smem:$0x7F2]  }
0xab: {  	[tilespmem:s30], [sflag:$0x2] =	stream.indirect_vreg.gather [hbm4b:s6+s2], $0x80, v3, vm0, $0xb8;
	[tilespmem:$0x1E080] =	vst v63  }
0xac: {  	s30 =	sld [smem:$0x7F3]  }
0xad: {  	[tilespmem:s31], [sflag:$0x2] =	stream.indirect_vreg.gather [hbm4b:s7+s2], $0x80, v3, vm0, $0xb8;
	[tilespmem:$0x1E080] =	vst v63  }
0xae: {  	s31 =	sld [smem:$0x7F4]  }
0xaf: {  	[tilespmem:s30], [sflag:$0x2] =	stream.indirect_vreg.gather [hbm4b:s8+s2], $0x80, v3, vm0, $0xb8;
	[tilespmem:$0x1E080] =	vst v63  }
0xb0: {  	s30 =	sld [smem:$0x7F5]  }
0xb1: {  	[tilespmem:s31], [sflag:$0x2] =	stream.indirect_vreg.gather [hbm4b:s9+s2], $0x80, v3, vm0, $0xb8;
	[tilespmem:$0x1E080] =	vst v63  }
0xb2: {  	s31 =	sld [smem:$0x7F6]  }
0xb3: {  	[tilespmem:s30], [sflag:$0x2] =	stream.indirect_vreg.gather [hbm4b:s10+s2], $0x80, v3, vm0, $0xb8;
	[tilespmem:$0x1E080] =	vst v63  }
0xb4: {  	s30 =	sld [smem:$0x7F7]  }
0xb5: {  	[tilespmem:s31], [sflag:$0x2] =	stream.indirect_vreg.gather [hbm4b:s11+s2], $0x80, v3, vm0, $0xb8;
	[tilespmem:$0x1E080] =	vst v63  }
0xb6: {  	s31 =	sld [smem:$0x7F8]  }
0xb7: {  	[tilespmem:s30], [sflag:$0x2] =	stream.indirect_vreg.gather [hbm4b:s12+s2], $0x80, v3, vm0, $0xb8;
	[tilespmem:$0x1E080] =	vst v63  }
0xb8: {  	s30 =	sld [smem:$0x7F9]  }
0xb9: {  	[tilespmem:s31], [sflag:$0x2] =	stream.indirect_vreg.gather [hbm4b:s13+s2], $0x80, v3, vm0, $0xb8;
	[tilespmem:$0x1E080] =	vst v63  }
0xba: {  	s31 =	sld [smem:$0x7FA]  }
0xbb: {  	[tilespmem:s30], [sflag:$0x2] =	stream.indirect_vreg.gather [hbm4b:s14+s2], $0x80, v3, vm0, $0xb8;
	[tilespmem:$0x1E080] =	vst v63  }
0xbc: {  	s30 =	sld [smem:$0x7FB]  }
0xbd: {  	[tilespmem:s31], [sflag:$0x2] =	stream.indirect_vreg.gather [hbm4b:s15+s2], $0x80, v3, vm0, $0xb8;
	[tilespmem:$0x1E080] =	vst v63  }
0xbe: {  	s31 =	sld [smem:$0x7FC]  }
0xbf: {  	[tilespmem:s30], [sflag:$0x2] =	stream.indirect_vreg.gather [hbm4b:s16+s2], $0x80, v3, vm0, $0xb8;
	[tilespmem:$0x1E080] =	vst v63  }
0xc0: {  	s30 =	sld [smem:$0x7FD]  }
0xc1: {  	[tilespmem:s31], [sflag:$0x2] =	stream.indirect_vreg.gather [hbm4b:s17+s2], $0x80, v3, vm0, $0xb8;
	[tilespmem:$0x1E080] =	vst v63  }
0xc2: {  	_ = 	snop  }
0xc3: {  	[tilespmem:s30], [sflag:$0x2] =	stream.indirect_vreg.gather [hbm4b:s18+s2], $0x80, v3, vm0, $0xb8;
	[tilespmem:$0x1E080] =	vst v63  }
0xc4: {  	_ =	swait.ge [sflag:s25], $0xF000  }
0xc5: {  	s31 =	sld [smem:$0x7EB]  }
0xc6: {  	[sflag:s25] =	ssyncset.done $0x0  }
0xc7: {  	[sflag:s25] =	ssyncadd.s32 $0xFFFF1000  }
0xc8: {  	[hbm4b:s31+s2] =	stream.linear.scatter [tilespmem:s1], [sflag:$0x3], $0xF000, $0x38;
	[tilespmem:$0x1E080] =	vst v63  }
0xc9: {  	s31 =	simm.s32 $0x2  }
0xca: {  	_ =	swait.ge [sflag:s31], $0xF000  }
0xcb: {  	[sflag:s31] =	ssyncset.done $0x0  }
0xcc: {  	s30 =	rddreg [dreg:$0x4];
	[sflag:s31] =	ssyncadd.s32 $0xFFFF1000  }
0xcd: {  	[hbm4b:s30+s2] =	stream.linear.scatter [tilespmem:s0], [sflag:$0x4], $0xF000, $0x38;
	[tilespmem:$0x1E080] =	vst v63  }
0xce: {  	_ =	swait.ge [sflag:s28], $0xF000  }
0xcf: {  	[sflag:s28] =	ssyncset.done $0x0  }
0xd0: {  	[sflag:s28] =	ssyncadd.s32 $0xFFFF1000  }
0xd1: {  	v3 =	vld.msk [tilespmem:$0x20], $0xff;
	_ =	sdelay $0x4  }
0xd2: {  	v63 =	vshrl.u32 v3, $0x3  }
0xd3: {  	v4 =	vmul.u32 $0xF0, v63  }
0xd4: {  	v3 =	vand.u32 $0x7, v3  }
0xd5: {  	v3 =	vor.u32 v3, v4  }
0xd6: {  	v3 =	vperm.xlane v3, v0;
	_ =	sdelay $0x1  }
0xd7: {  	v3 =	vadd.s32 v1, v3;
	_ =	sdelay $0x4  }
0xd8: {  	[tilespmem:s1], [sflag:$0x1] =	stream.indirect_vreg.gather [hbm4b:s4+s2], $0x80, v3, vm0, $0xb8;
	[tilespmem:$0x1E080] =	vst v63  }
0xd9: {  	s30 =	simm.s32 $0x880  }
0xda: {  	[tilespmem:s30], [sflag:$0x1] =	stream.indirect_vreg.gather [hbm4b:s5+s2], $0x80, v3, vm0, $0xb8;
	[tilespmem:$0x1E080] =	vst v63  }
0xdb: {  	s31 =	simm.s32 $0x1080  }
0xdc: {  	[tilespmem:s31], [sflag:$0x1] =	stream.indirect_vreg.gather [hbm4b:s6+s2], $0x80, v3, vm0, $0xb8;
	[tilespmem:$0x1E080] =	vst v63  }
0xdd: {  	s30 =	simm.s32 $0x1880  }
0xde: {  	[tilespmem:s30], [sflag:$0x1] =	stream.indirect_vreg.gather [hbm4b:s7+s2], $0x80, v3, vm0, $0xb8;
	[tilespmem:$0x1E080] =	vst v63  }
0xdf: {  	_ = 	snop  }
0xe0: {  	[tilespmem:s22], [sflag:$0x1] =	stream.indirect_vreg.gather [hbm4b:s8+s2], $0x80, v3, vm0, $0xb8;
	[tilespmem:$0x1E080] =	vst v63  }
0xe1: {  	_ = 	snop  }
0xe2: {  	[tilespmem:s23], [sflag:$0x1] =	stream.indirect_vreg.gather [hbm4b:s9+s2], $0x80, v3, vm0, $0xb8;
	[tilespmem:$0x1E080] =	vst v63  }
0xe3: {  	_ = 	snop  }
0xe4: {  	[tilespmem:s24], [sflag:$0x1] =	stream.indirect_vreg.gather [hbm4b:s10+s2], $0x80, v3, vm0, $0xb8;
	[tilespmem:$0x1E080] =	vst v63  }
0xe5: {  	s31 =	simm.s32 $0x3880  }
0xe6: {  	[tilespmem:s31], [sflag:$0x1] =	stream.indirect_vreg.gather [hbm4b:s11+s2], $0x80, v3, vm0, $0xb8;
	[tilespmem:$0x1E080] =	vst v63  }
0xe7: {  	_ = 	snop  }
0xe8: {  	[tilespmem:s26], [sflag:$0x1] =	stream.indirect_vreg.gather [hbm4b:s12+s2], $0x80, v3, vm0, $0xb8;
	[tilespmem:$0x1E080] =	vst v63  }
0xe9: {  	_ = 	snop  }
0xea: {  	[tilespmem:s29], [sflag:$0x1] =	stream.indirect_vreg.gather [hbm4b:s13+s2], $0x80, v3, vm0, $0xb8;
	[tilespmem:$0x1E080] =	vst v63  }
0xeb: {  	s30 =	simm.s32 $0x5080  }
0xec: {  	[tilespmem:s30], [sflag:$0x1] =	stream.indirect_vreg.gather [hbm4b:s14+s2], $0x80, v3, vm0, $0xb8;
	[tilespmem:$0x1E080] =	vst v63  }
0xed: {  	s31 =	simm.s32 $0x5880  }
0xee: {  	[tilespmem:s31], [sflag:$0x1] =	stream.indirect_vreg.gather [hbm4b:s15+s2], $0x80, v3, vm0, $0xb8;
	[tilespmem:$0x1E080] =	vst v63  }
0xef: {  	_ = 	snop  }
0xf0: {  	[tilespmem:s21], [sflag:$0x1] =	stream.indirect_vreg.gather [hbm4b:s16+s2], $0x80, v3, vm0, $0xb8;
	[tilespmem:$0x1E080] =	vst v63  }
0xf1: {  	_ = 	snop  }
0xf2: {  	[tilespmem:s20], [sflag:$0x1] =	stream.indirect_vreg.gather [hbm4b:s17+s2], $0x80, v3, vm0, $0xb8;
	[tilespmem:$0x1E080] =	vst v63  }
0xf3: {  	_ = 	snop  }
0xf4: {  	[tilespmem:s3], [sflag:$0x1] =	stream.indirect_vreg.gather [hbm4b:s18+s2], $0x80, v3, vm0, $0xb8;
	[tilespmem:$0x1E080] =	vst v63  }
0xf5: {  	_ =	swait.ge [sflag:s25], $0x7800  }
0xf6: {  	[sflag:s25] =	ssyncset.done $0x0  }
0xf7: {  	s31 =	simm.s32 $0x4;
	s0 =	rddreg [dreg:$0x5];
	[sflag:s25] =	ssyncadd.s32 $0xFFFF8800  }
0xf8: {  	[hbm4b:s0+s2] =	stream.linear.scatter [tilespmem:s1], [sflag:$0x3], $0x7800, $0x38;
	[tilespmem:$0x1E080] =	vst v63  }
0xf9: {  	p0 =	sne.s32 s19, $0x1;
	_ =	swait.ge [sflag:s31], $0xF000  }
.Ltmp0:
0xfa: {  	[sflag:s31] =	ssyncset.done $0x0;
	(pc) =	sbr.rel @p0 .LBB2_1-.Ltmp0, $4  }
0xfb: {  	[sflag:s31] =	ssyncadd.s32 $0xFFFF1000  }
0xfc: {  	_ =	swait.ge [sflag:s28], $0x7800  }
0xfd: {  	[sflag:s28] =	ssyncset.done $0x0  }
0xfe: {  	s19 =	sadd.s32 $0xFFFFFFFF, s19;
	[sflag:s28] =	ssyncadd.s32 $0xFFFF8800  }
0xff: {  	_ =	sfence.sel $0x180000  }
0x100: {  	[bflag:$0x0] =	sbarrier.arrive $0xFFFF  }
0x101: {  	_ =	strace $0x90000047  }
0x102: {  	s0 =	stileid.u32;
	[bflag:$0x2] =	sbarrier.arrive $0xFFFF  }
0x103: {  	p0 =	sne.s32 s0, $0x0;
	s0 =	rddreg [dreg:$0x2]  }
0x104: {  	s0 =	sadd.s32 @!p0 $0x100000, s0  }
0x105: {  	[sflag:s0] =	ssyncadd.tile.s32 @!p0 $0x1;
	_ =	shalt  }
.Lfunc_end2:
_tile_overlayer_lowered:
.L_overlay_start_2:
0x106: {  	(tag) =	ssettag $0x2  }
0x107: {  	s0 =	rddreg [dreg:$0x0];
	s2 =	stileid.u32  }
0x108: {  	s1 =	rddreg [dreg:$0x1];
	p0 =	sne.s32 s2, $0x0  }
0x109: {  	s3 =	rddreg [dreg:$0x2];
	[bflag:$0x3] =	sbarrier.arrive $0xFFFF;
	s2 =	simm.s32 @!p0 $0x1C05  }
0x10a: {  	[timem:s3], [sflag:s2] =	dma.local @!p0 [hbm:s0], s1  }
0x10b: {  	s0 =	simm.s32 @!p0 $0x5  }
0x10c: {  	_ =	swait.ge @!p0 [sflag:s0], s1  }
0x10d: {  	s1 =	ssub.s32 @!p0 $0x0, s1;
	[sflag:s0] =	ssyncset.done @!p0 $0x0  }
0x10e: {  	[sflag:s0] =	ssyncadd.s32 @!p0 s1  }
0x10f: {  	[bflag:$0x3] =	sbarrier.arrive $0xFFFF  }
0x110: {  	_ =	shalt  }

</sc_bundles>
